<compile_context>
chip_gen: v7x
topology: tpu7x:2x2x1
jax: 0.10.2.dev20260603
libtpu: 0.0.44.dev20260713+nightly
codegen_flags: <defaults>
</compile_context>

<pallas_src>
import functools

import jax
import jax.numpy as jnp
from jax import lax
from jax.experimental import pallas as pl
from jax.experimental.pallas import tpu as pltpu
from jax.experimental.pallas import tpu_sc as plsc

_NSEM = 4
_TC_FRAC_NUM, _TC_FRAC_DEN = 1, 4


@functools.lru_cache(maxsize=None)
def _make_sc_gather(B, V, D):
    info = plsc.get_sparse_core_info()
    NC, NS = info.num_cores, info.num_subcores
    NW = NC * NS
    assert B % (8 * NW) == 0
    b_per_w = B // NW

    mesh = plsc.VectorSubcoreMesh(core_axis_name="c", subcore_axis_name="s")

    @functools.partial(
        pl.kernel,
        mesh=mesh,
        out_type=jax.ShapeDtypeStruct((B, D), jnp.float32),
        scratch_types=[
            pltpu.VMEM((b_per_w,), jnp.int32),
            pltpu.VMEM((b_per_w, D), jnp.float32),
            [pltpu.SemaphoreType.DMA] * _NSEM,
        ],
    )
    def gather_kernel(table_hbm, idx_hbm, out_hbm, idx_v, rows_v, sems):
        wid = lax.axis_index("s") * NC + lax.axis_index("c")
        base = wid * b_per_w
        pltpu.sync_copy(idx_hbm.at[pl.ds(base, b_per_w)], idx_v)
        L = 16
        per_q = b_per_w // _NSEM
        groups_per_q = per_q // L

        def make_body(q):
            def body(g, carry):
                vec = idx_v[pl.ds(q * per_q + g * L, L)]
                for j in range(L):
                    k = q * per_q + g * L + j
                    pltpu.async_copy(
                        table_hbm.at[pl.ds(vec[j], 1)],
                        rows_v.at[pl.ds(k, 1)],
                        sems[q],
                    )
                return carry

            return body

        for q in range(_NSEM):
            lax.fori_loop(0, groups_per_q, make_body(q), 0)
        for q in range(_NSEM):
            pltpu.make_async_copy(
                table_hbm.at[pl.ds(0, per_q)],
                rows_v.at[pl.ds(q * per_q, per_q)],
                sems[q],
            ).wait()
            pltpu.sync_copy(
                rows_v.at[pl.ds(q * per_q, per_q)],
                out_hbm.at[pl.ds(base + q * per_q, per_q)],
            )

    return gather_kernel


@functools.lru_cache(maxsize=None)
def _make_tc_gather(B, V, D):
    def tc_kernel(idx_smem, table_any, out_vmem, sem):
        def body(i, carry):
            r = idx_smem[i]
            pltpu.make_async_copy(
                table_any.at[pl.ds(r, 1)], out_vmem.at[pl.ds(i, 1)], sem
            ).start()
            return carry

        lax.fori_loop(0, B, body, 0)
        pltpu.make_async_copy(
            table_any.at[pl.ds(0, B)], out_vmem, sem
        ).wait()

    return pl.pallas_call(
        tc_kernel,
        out_shape=jax.ShapeDtypeStruct((B, D), jnp.float32),
        in_specs=[
            pl.BlockSpec(memory_space=pltpu.SMEM),
            pl.BlockSpec(memory_space=pl.ANY),
        ],
        out_specs=pl.BlockSpec(memory_space=pltpu.VMEM),
        scratch_shapes=[pltpu.SemaphoreType.DMA],
    )


def kernel(indices, mean, logstd):
    B, = indices.shape
    V, D = mean.shape
    idx = jnp.asarray(indices, jnp.int32)
    b_tc = (B * _TC_FRAC_NUM // _TC_FRAC_DEN) // 256 * 256
    b_sc = B - b_tc
    out_sc = _make_sc_gather(b_sc, V, D)(mean, idx[:b_sc])
    out_tc = _make_tc_gather(b_tc, V, D)(idx[b_sc:], mean)
    return jnp.concatenate([out_sc, out_tc], axis=0)

# --- scband reference (transcript-rebuilt; emitter-appended) ---
"""Pipeline reference for scband-bayesian-coefficient-30777735643688 (READ-ONLY COPY).

The authoritative reference and input builder live on the scoring server;
editing this copy changes nothing except your own understanding.
"""

import jax, jax.numpy as jnp
import numpy as np

NUM_CLASSES = 1000000
DIM = 32
BATCH = 16384

def setup_inputs(seed: int = 0) -> dict:
    key = jax.random.key(seed)
    k_idx, k_mean, k_logstd = jax.random.split(key, 3)
    indices = jax.random.randint(k_idx, (BATCH,), 0, NUM_CLASSES, dtype=jnp.int64 if jax.config.jax_enable_x64 else jnp.int32)
    # Variational distribution parameters of BayesianCoefficient.
    # torch init: mean = zeros, logstd = ones; use small random mean so output is nontrivial.
    mean = jax.random.normal(k_mean, (NUM_CLASSES, DIM), dtype=jnp.float32) * 0.1
    logstd = jnp.ones((NUM_CLASSES, DIM), dtype=jnp.float32)
    return {"indices": indices, "mean": mean, "logstd": logstd}

def reference(indices, mean, logstd):
    # BayesianCoefficient deterministic forward: gather the variational posterior
    # mean of the coefficient for each class index (embedding lookup on the
    # variational mean table). logstd parameter is carried but unused in the
    # deterministic path.
    coef = jnp.take(mean, indices, axis=0)  # (BATCH, DIM)
    return coef

if __name__ == "__main__":
    import jax
    _d = setup_inputs()
    print(jax.jit(kernel)(*tuple(_d.values())))

</pallas_src>

<mosaic_0001>
#map = affine_map<(d0, d1) -> (0, 0)>
#map1 = affine_map<(d0, d1) -> (0)>
module attributes {stable_mosaic.version = 14 : i64} {
  func.func @gather_kernel(%arg0: i32, %arg1: i32, %arg2: memref<1000000x32xf32, #tpu.memory_space<hbm>>, %arg3: memref<12288xi32, #tpu.memory_space<hbm>>, %arg4: memref<12288x32xf32, #tpu.memory_space<hbm>>, %arg5: memref<384xi32, #tpu.memory_space<vmem>>, %arg6: memref<384x32xf32, #tpu.memory_space<vmem>>, %arg7: memref<!tpu.dma_semaphore, #tpu.memory_space<semaphore_mem>>, %arg8: memref<!tpu.dma_semaphore, #tpu.memory_space<semaphore_mem>>, %arg9: memref<!tpu.dma_semaphore, #tpu.memory_space<semaphore_mem>>, %arg10: memref<!tpu.dma_semaphore, #tpu.memory_space<semaphore_mem>>) attributes {dimension_semantics = [#tpu.dimension_semantics<core_parallel>, #tpu.dimension_semantics<subcore_parallel>], iteration_bounds = array<i64: 2, 16>, scalar_prefetch = 0 : i64, scratch_operands = 6 : i64, tpu.core_type = #tpu.core_type<sc_vector_subcore>, window_params = [{transform_indices = #map}, {transform_indices = #map1}, {transform_indices = #map}]} {
    %mul3A = arith.constant 2 : i32
    %mul3A_0 = arith.muli %arg1, %mul3A : i32
    %add3A = arith.addi %mul3A_0, %arg0 : i32
    %mul3A_1 = arith.constant 384 : i32
    %mul3A_2 = arith.muli %add3A, %mul3A_1 : i32
    "tpu.region"() ({
      %run_scoped3A = tpu.sem_alloc : memref<!tpu.dma_semaphore, #tpu.memory_space<semaphore_mem>>
      %dma_start3A = tpu.memref_slice %arg3[%mul3A_2] : memref<12288xi32, #tpu.memory_space<hbm>> -> memref<384xi32, #tpu.memory_space<hbm>>
      %dma_start3A_81 = tpu.memref_slice %arg3[%mul3A_2] : memref<12288xi32, #tpu.memory_space<hbm>> -> memref<384xi32, #tpu.memory_space<hbm>>
      tpu.enqueue_dma source(%dma_start3A_81 : memref<384xi32, #tpu.memory_space<hbm>>) target(%arg5 : memref<384xi32, #tpu.memory_space<vmem>>) target_semaphore(%run_scoped3A : memref<!tpu.dma_semaphore, #tpu.memory_space<semaphore_mem>>)
      %dma_wait3A_82 = tpu.memref_slice %arg3[%mul3A_2] : memref<12288xi32, #tpu.memory_space<hbm>> -> memref<384xi32, #tpu.memory_space<hbm>>
      %dma_wait3A_83 = tpu.memref_slice %arg3[%mul3A_2] : memref<12288xi32, #tpu.memory_space<hbm>> -> memref<384xi32, #tpu.memory_space<hbm>>
      tpu.wait_dma2 semaphore(%run_scoped3A : memref<!tpu.dma_semaphore, #tpu.memory_space<semaphore_mem>>) src(%dma_wait3A_83 : memref<384xi32, #tpu.memory_space<hbm>>) dst(%arg5 : memref<384xi32, #tpu.memory_space<vmem>>)
      tpu.yield
    }) : () -> ()
    %scan3A = arith.constant 0 : i32
    %scan3A_3 = arith.constant 0 : i32
    %scan3A_4 = arith.constant 6 : i32
    %scan3A_5 = arith.addi %scan3A_3, %scan3A_4 : i32
    %scan3A_6 = arith.constant 1 : i32
    scf.for %scan3A_81 = %scan3A_3 to %scan3A_5 step %scan3A_6  : i32 {
      %mul3A_82 = arith.constant 16 : i32
      %mul3A_83 = arith.muli %scan3A_81, %mul3A_82 : i32
      %add3A_84 = arith.constant 0 : i32
      %add3A_85 = arith.addi %add3A_84, %mul3A_83 : i32
      %get3A = arith.index_cast %add3A_85 : i32 to index
      %get3A_86 = tpu.vector_load %arg5[%get3A] {strides = array<i32>} : memref<384xi32, #tpu.memory_space<vmem>>, vector<16xi32>,
      %get3A_87 = vector.shape_cast %get3A_86 : vector<16xi32> to vector<16xi32>
      %mul3A_88 = arith.constant 16 : i32
      %mul3A_89 = arith.muli %scan3A_81, %mul3A_88 : i32
      %add3A_90 = arith.constant 0 : i32
      %add3A_91 = arith.addi %add3A_90, %mul3A_89 : i32
      %add3A_92 = arith.constant 0 : i32
      %add3A_93 = arith.addi %add3A_91, %add3A_92 : i32
      %slice3A = vector.extract_strided_slice %get3A_87 {offsets = [0], sizes = [1], strides = [1]} : vector<16xi32> to vector<1xi32>
      %squeeze3A = vector.extract %slice3A[0] : i32 from vector<1xi32>
      %dma_start3A = arith.constant 0 : i32
      %dma_start3A_94 = tpu.memref_slice %arg6[%add3A_93, %dma_start3A] : memref<384x32xf32, #tpu.memory_space<vmem>> -> memref<1x32xf32, #tpu.memory_space<vmem>>
      %dma_start3A_95 = arith.constant 0 : i32
      %dma_start3A_96 = tpu.memref_slice %arg2[%squeeze3A, %dma_start3A_95] : memref<1000000x32xf32, #tpu.memory_space<hbm>> -> memref<1x32xf32, #tpu.memory_space<hbm>>
      %dma_start3A_97 = arith.constant 0 : i32
      %dma_start3A_98 = tpu.memref_slice %arg6[%add3A_93, %dma_start3A_97] : memref<384x32xf32, #tpu.memory_space<vmem>> -> memref<1x32xf32, #tpu.memory_space<vmem>>
      %dma_start3A_99 = arith.constant 0 : i32
      %dma_start3A_100 = tpu.memref_slice %arg2[%squeeze3A, %dma_start3A_99] : memref<1000000x32xf32, #tpu.memory_space<hbm>> -> memref<1x32xf32, #tpu.memory_space<hbm>>
      tpu.enqueue_dma source(%dma_start3A_100 : memref<1x32xf32, #tpu.memory_space<hbm>>) target(%dma_start3A_98 : memref<1x32xf32, #tpu.memory_space<vmem>>) target_semaphore(%arg7 : memref<!tpu.dma_semaphore, #tpu.memory_space<semaphore_mem>>)
      %mul3A_101 = arith.constant 16 : i32
      %mul3A_102 = arith.muli %scan3A_81, %mul3A_101 : i32
      %add3A_103 = arith.constant 0 : i32
      %add3A_104 = arith.addi %add3A_103, %mul3A_102 : i32
      %add3A_105 = arith.constant 1 : i32
      %add3A_106 = arith.addi %add3A_104, %add3A_105 : i32
      %slice3A_107 = vector.extract_strided_slice %get3A_87 {offsets = [1], sizes = [1], strides = [1]} : vector<16xi32> to vector<1xi32>
      %squeeze3A_108 = vector.extract %slice3A_107[0] : i32 from vector<1xi32>
      %dma_start3A_109 = arith.constant 0 : i32
      %dma_start3A_110 = tpu.memref_slice %arg6[%add3A_106, %dma_start3A_109] : memref<384x32xf32, #tpu.memory_space<vmem>> -> memref<1x32xf32, #tpu.memory_space<vmem>>
      %dma_start3A_111 = arith.constant 0 : i32
      %dma_start3A_112 = tpu.memref_slice %arg2[%squeeze3A_108, %dma_start3A_111] : memref<1000000x32xf32, #tpu.memory_space<hbm>> -> memref<1x32xf32, #tpu.memory_space<hbm>>
      %dma_start3A_113 = arith.constant 0 : i32
      %dma_start3A_114 = tpu.memref_slice %arg6[%add3A_106, %dma_start3A_113] : memref<384x32xf32, #tpu.memory_space<vmem>> -> memref<1x32xf32, #tpu.memory_space<vmem>>
      %dma_start3A_115 = arith.constant 0 : i32
      %dma_start3A_116 = tpu.memref_slice %arg2[%squeeze3A_108, %dma_start3A_115] : memref<1000000x32xf32, #tpu.memory_space<hbm>> -> memref<1x32xf32, #tpu.memory_space<hbm>>
      tpu.enqueue_dma source(%dma_start3A_116 : memref<1x32xf32, #tpu.memory_space<hbm>>) target(%dma_start3A_114 : memref<1x32xf32, #tpu.memory_space<vmem>>) target_semaphore(%arg7 : memref<!tpu.dma_semaphore, #tpu.memory_space<semaphore_mem>>)
      %mul3A_117 = arith.constant 16 : i32
      %mul3A_118 = arith.muli %scan3A_81, %mul3A_117 : i32
      %add3A_119 = arith.constant 0 : i32
      %add3A_120 = arith.addi %add3A_119, %mul3A_118 : i32
      %add3A_121 = arith.constant 2 : i32
      %add3A_122 = arith.addi %add3A_120, %add3A_121 : i32
      %slice3A_123 = vector.extract_strided_slice %get3A_87 {offsets = [2], sizes = [1], strides = [1]} : vector<16xi32> to vector<1xi32>
      %squeeze3A_124 = vector.extract %slice3A_123[0] : i32 from vector<1xi32>
      %dma_start3A_125 = arith.constant 0 : i32
      %dma_start3A_126 = tpu.memref_slice %arg6[%add3A_122, %dma_start3A_125] : memref<384x32xf32, #tpu.memory_space<vmem>> -> memref<1x32xf32, #tpu.memory_space<vmem>>
      %dma_start3A_127 = arith.constant 0 : i32
      %dma_start3A_128 = tpu.memref_slice %arg2[%squeeze3A_124, %dma_start3A_127] : memref<1000000x32xf32, #tpu.memory_space<hbm>> -> memref<1x32xf32, #tpu.memory_space<hbm>>
      %dma_start3A_129 = arith.constant 0 : i32
      %dma_start3A_130 = tpu.memref_slice %arg6[%add3A_122, %dma_start3A_129] : memref<384x32xf32, #tpu.memory_space<vmem>> -> memref<1x32xf32, #tpu.memory_space<vmem>>
      %dma_start3A_131 = arith.constant 0 : i32
      %dma_start3A_132 = tpu.memref_slice %arg2[%squeeze3A_124, %dma_start3A_131] : memref<1000000x32xf32, #tpu.memory_space<hbm>> -> memref<1x32xf32, #tpu.memory_space<hbm>>
      tpu.enqueue_dma source(%dma_start3A_132 : memref<1x32xf32, #tpu.memory_space<hbm>>) target(%dma_start3A_130 : memref<1x32xf32, #tpu.memory_space<vmem>>) target_semaphore(%arg7 : memref<!tpu.dma_semaphore, #tpu.memory_space<semaphore_mem>>)
      %mul3A_133 = arith.constant 16 : i32
      %mul3A_134 = arith.muli %scan3A_81, %mul3A_133 : i32
      %add3A_135 = arith.constant 0 : i32
      %add3A_136 = arith.addi %add3A_135, %mul3A_134 : i32
      %add3A_137 = arith.constant 3 : i32
      %add3A_138 = arith.addi %add3A_136, %add3A_137 : i32
      %slice3A_139 = vector.extract_strided_slice %get3A_87 {offsets = [3], sizes = [1], strides = [1]} : vector<16xi32> to vector<1xi32>
      %squeeze3A_140 = vector.extract %slice3A_139[0] : i32 from vector<1xi32>
      %dma_start3A_141 = arith.constant 0 : i32
      %dma_start3A_142 = tpu.memref_slice %arg6[%add3A_138, %dma_start3A_141] : memref<384x32xf32, #tpu.memory_space<vmem>> -> memref<1x32xf32, #tpu.memory_space<vmem>>
      %dma_start3A_143 = arith.constant 0 : i32
      %dma_start3A_144 = tpu.memref_slice %arg2[%squeeze3A_140, %dma_start3A_143] : memref<1000000x32xf32, #tpu.memory_space<hbm>> -> memref<1x32xf32, #tpu.memory_space<hbm>>
      %dma_start3A_145 = arith.constant 0 : i32
      %dma_start3A_146 = tpu.memref_slice %arg6[%add3A_138, %dma_start3A_145] : memref<384x32xf32, #tpu.memory_space<vmem>> -> memref<1x32xf32, #tpu.memory_space<vmem>>
      %dma_start3A_147 = arith.constant 0 : i32
      %dma_start3A_148 = tpu.memref_slice %arg2[%squeeze3A_140, %dma_start3A_147] : memref<1000000x32xf32, #tpu.memory_space<hbm>> -> memref<1x32xf32, #tpu.memory_space<hbm>>
      tpu.enqueue_dma source(%dma_start3A_148 : memref<1x32xf32, #tpu.memory_space<hbm>>) target(%dma_start3A_146 : memref<1x32xf32, #tpu.memory_space<vmem>>) target_semaphore(%arg7 : memref<!tpu.dma_semaphore, #tpu.memory_space<semaphore_mem>>)
      %mul3A_149 = arith.constant 16 : i32
      %mul3A_150 = arith.muli %scan3A_81, %mul3A_149 : i32
      %add3A_151 = arith.constant 0 : i32
      %add3A_152 = arith.addi %add3A_151, %mul3A_150 : i32
      %add3A_153 = arith.constant 4 : i32
      %add3A_154 = arith.addi %add3A_152, %add3A_153 : i32
      %slice3A_155 = vector.extract_strided_slice %get3A_87 {offsets = [4], sizes = [1], strides = [1]} : vector<16xi32> to vector<1xi32>
      %squeeze3A_156 = vector.extract %slice3A_155[0] : i32 from vector<1xi32>
      %dma_start3A_157 = arith.constant 0 : i32
      %dma_start3A_158 = tpu.memref_slice %arg6[%add3A_154, %dma_start3A_157] : memref<384x32xf32, #tpu.memory_space<vmem>> -> memref<1x32xf32, #tpu.memory_space<vmem>>
      %dma_start3A_159 = arith.constant 0 : i32
      %dma_start3A_160 = tpu.memref_slice %arg2[%squeeze3A_156, %dma_start3A_159] : memref<1000000x32xf32, #tpu.memory_space<hbm>> -> memref<1x32xf32, #tpu.memory_space<hbm>>
      %dma_start3A_161 = arith.constant 0 : i32
      %dma_start3A_162 = tpu.memref_slice %arg6[%add3A_154, %dma_start3A_161] : memref<384x32xf32, #tpu.memory_space<vmem>> -> memref<1x32xf32, #tpu.memory_space<vmem>>
      %dma_start3A_163 = arith.constant 0 : i32
      %dma_start3A_164 = tpu.memref_slice %arg2[%squeeze3A_156, %dma_start3A_163] : memref<1000000x32xf32, #tpu.memory_space<hbm>> -> memref<1x32xf32, #tpu.memory_space<hbm>>
      tpu.enqueue_dma source(%dma_start3A_164 : memref<1x32xf32, #tpu.memory_space<hbm>>) target(%dma_start3A_162 : memref<1x32xf32, #tpu.memory_space<vmem>>) target_semaphore(%arg7 : memref<!tpu.dma_semaphore, #tpu.memory_space<semaphore_mem>>)
      %mul3A_165 = arith.constant 16 : i32
      %mul3A_166 = arith.muli %scan3A_81, %mul3A_165 : i32
      %add3A_167 = arith.constant 0 : i32
      %add3A_168 = arith.addi %add3A_167, %mul3A_166 : i32
      %add3A_169 = arith.constant 5 : i32
      %add3A_170 = arith.addi %add3A_168, %add3A_169 : i32
      %slice3A_171 = vector.extract_strided_slice %get3A_87 {offsets = [5], sizes = [1], strides = [1]} : vector<16xi32> to vector<1xi32>
      %squeeze3A_172 = vector.extract %slice3A_171[0] : i32 from vector<1xi32>
      %dma_start3A_173 = arith.constant 0 : i32
      %dma_start3A_174 = tpu.memref_slice %arg6[%add3A_170, %dma_start3A_173] : memref<384x32xf32, #tpu.memory_space<vmem>> -> memref<1x32xf32, #tpu.memory_space<vmem>>
      %dma_start3A_175 = arith.constant 0 : i32
      %dma_start3A_176 = tpu.memref_slice %arg2[%squeeze3A_172, %dma_start3A_175] : memref<1000000x32xf32, #tpu.memory_space<hbm>> -> memref<1x32xf32, #tpu.memory_space<hbm>>
      %dma_start3A_177 = arith.constant 0 : i32
      %dma_start3A_178 = tpu.memref_slice %arg6[%add3A_170, %dma_start3A_177] : memref<384x32xf32, #tpu.memory_space<vmem>> -> memref<1x32xf32, #tpu.memory_space<vmem>>
      %dma_start3A_179 = arith.constant 0 : i32
      %dma_start3A_180 = tpu.memref_slice %arg2[%squeeze3A_172, %dma_start3A_179] : memref<1000000x32xf32, #tpu.memory_space<hbm>> -> memref<1x32xf32, #tpu.memory_space<hbm>>
      tpu.enqueue_dma source(%dma_start3A_180 : memref<1x32xf32, #tpu.memory_space<hbm>>) target(%dma_start3A_178 : memref<1x32xf32, #tpu.memory_space<vmem>>) target_semaphore(%arg7 : memref<!tpu.dma_semaphore, #tpu.memory_space<semaphore_mem>>)
      %mul3A_181 = arith.constant 16 : i32
      %mul3A_182 = arith.muli %scan3A_81, %mul3A_181 : i32
      %add3A_183 = arith.constant 0 : i32
      %add3A_184 = arith.addi %add3A_183, %mul3A_182 : i32
      %add3A_185 = arith.constant 6 : i32
      %add3A_186 = arith.addi %add3A_184, %add3A_185 : i32
      %slice3A_187 = vector.extract_strided_slice %get3A_87 {offsets = [6], sizes = [1], strides = [1]} : vector<16xi32> to vector<1xi32>
      %squeeze3A_188 = vector.extract %slice3A_187[0] : i32 from vector<1xi32>
      %dma_start3A_189 = arith.constant 0 : i32
      %dma_start3A_190 = tpu.memref_slice %arg6[%add3A_186, %dma_start3A_189] : memref<384x32xf32, #tpu.memory_space<vmem>> -> memref<1x32xf32, #tpu.memory_space<vmem>>
      %dma_start3A_191 = arith.constant 0 : i32
      %dma_start3A_192 = tpu.memref_slice %arg2[%squeeze3A_188, %dma_start3A_191] : memref<1000000x32xf32, #tpu.memory_space<hbm>> -> memref<1x32xf32, #tpu.memory_space<hbm>>
      %dma_start3A_193 = arith.constant 0 : i32
      %dma_start3A_194 = tpu.memref_slice %arg6[%add3A_186, %dma_start3A_193] : memref<384x32xf32, #tpu.memory_space<vmem>> -> memref<1x32xf32, #tpu.memory_space<vmem>>
      %dma_start3A_195 = arith.constant 0 : i32
      %dma_start3A_196 = tpu.memref_slice %arg2[%squeeze3A_188, %dma_start3A_195] : memref<1000000x32xf32, #tpu.memory_space<hbm>> -> memref<1x32xf32, #tpu.memory_space<hbm>>
      tpu.enqueue_dma source(%dma_start3A_196 : memref<1x32xf32, #tpu.memory_space<hbm>>) target(%dma_start3A_194 : memref<1x32xf32, #tpu.memory_space<vmem>>) target_semaphore(%arg7 : memref<!tpu.dma_semaphore, #tpu.memory_space<semaphore_mem>>)
      %mul3A_197 = arith.constant 16 : i32
      %mul3A_198 = arith.muli %scan3A_81, %mul3A_197 : i32
      %add3A_199 = arith.constant 0 : i32
      %add3A_200 = arith.addi %add3A_199, %mul3A_198 : i32
      %add3A_201 = arith.constant 7 : i32
      %add3A_202 = arith.addi %add3A_200, %add3A_201 : i32
      %slice3A_203 = vector.extract_strided_slice %get3A_87 {offsets = [7], sizes = [1], strides = [1]} : vector<16xi32> to vector<1xi32>
      %squeeze3A_204 = vector.extract %slice3A_203[0] : i32 from vector<1xi32>
      %dma_start3A_205 = arith.constant 0 : i32
      %dma_start3A_206 = tpu.memref_slice %arg6[%add3A_202, %dma_start3A_205] : memref<384x32xf32, #tpu.memory_space<vmem>> -> memref<1x32xf32, #tpu.memory_space<vmem>>
      %dma_start3A_207 = arith.constant 0 : i32
      %dma_start3A_208 = tpu.memref_slice %arg2[%squeeze3A_204, %dma_start3A_207] : memref<1000000x32xf32, #tpu.memory_space<hbm>> -> memref<1x32xf32, #tpu.memory_space<hbm>>
      %dma_start3A_209 = arith.constant 0 : i32
      %dma_start3A_210 = tpu.memref_slice %arg6[%add3A_202, %dma_start3A_209] : memref<384x32xf32, #tpu.memory_space<vmem>> -> memref<1x32xf32, #tpu.memory_space<vmem>>
      %dma_start3A_211 = arith.constant 0 : i32
      %dma_start3A_212 = tpu.memref_slice %arg2[%squeeze3A_204, %dma_start3A_211] : memref<1000000x32xf32, #tpu.memory_space<hbm>> -> memref<1x32xf32, #tpu.memory_space<hbm>>
      tpu.enqueue_dma source(%dma_start3A_212 : memref<1x32xf32, #tpu.memory_space<hbm>>) target(%dma_start3A_210 : memref<1x32xf32, #tpu.memory_space<vmem>>) target_semaphore(%arg7 : memref<!tpu.dma_semaphore, #tpu.memory_space<semaphore_mem>>)
      %mul3A_213 = arith.constant 16 : i32
      %mul3A_214 = arith.muli %scan3A_81, %mul3A_213 : i32
      %add3A_215 = arith.constant 0 : i32
      %add3A_216 = arith.addi %add3A_215, %mul3A_214 : i32
      %add3A_217 = arith.constant 8 : i32
      %add3A_218 = arith.addi %add3A_216, %add3A_217 : i32
      %slice3A_219 = vector.extract_strided_slice %get3A_87 {offsets = [8], sizes = [1], strides = [1]} : vector<16xi32> to vector<1xi32>
      %squeeze3A_220 = vector.extract %slice3A_219[0] : i32 from vector<1xi32>
      %dma_start3A_221 = arith.constant 0 : i32
      %dma_start3A_222 = tpu.memref_slice %arg6[%add3A_218, %dma_start3A_221] : memref<384x32xf32, #tpu.memory_space<vmem>> -> memref<1x32xf32, #tpu.memory_space<vmem>>
      %dma_start3A_223 = arith.constant 0 : i32
      %dma_start3A_224 = tpu.memref_slice %arg2[%squeeze3A_220, %dma_start3A_223] : memref<1000000x32xf32, #tpu.memory_space<hbm>> -> memref<1x32xf32, #tpu.memory_space<hbm>>
      %dma_start3A_225 = arith.constant 0 : i32
      %dma_start3A_226 = tpu.memref_slice %arg6[%add3A_218, %dma_start3A_225] : memref<384x32xf32, #tpu.memory_space<vmem>> -> memref<1x32xf32, #tpu.memory_space<vmem>>
      %dma_start3A_227 = arith.constant 0 : i32
      %dma_start3A_228 = tpu.memref_slice %arg2[%squeeze3A_220, %dma_start3A_227] : memref<1000000x32xf32, #tpu.memory_space<hbm>> -> memref<1x32xf32, #tpu.memory_space<hbm>>
      tpu.enqueue_dma source(%dma_start3A_228 : memref<1x32xf32, #tpu.memory_space<hbm>>) target(%dma_start3A_226 : memref<1x32xf32, #tpu.memory_space<vmem>>) target_semaphore(%arg7 : memref<!tpu.dma_semaphore, #tpu.memory_space<semaphore_mem>>)
      %mul3A_229 = arith.constant 16 : i32
      %mul3A_230 = arith.muli %scan3A_81, %mul3A_229 : i32
      %add3A_231 = arith.constant 0 : i32
      %add3A_232 = arith.addi %add3A_231, %mul3A_230 : i32
      %add3A_233 = arith.constant 9 : i32
      %add3A_234 = arith.addi %add3A_232, %add3A_233 : i32
      %slice3A_235 = vector.extract_strided_slice %get3A_87 {offsets = [9], sizes = [1], strides = [1]} : vector<16xi32> to vector<1xi32>
      %squeeze3A_236 = vector.extract %slice3A_235[0] : i32 from vector<1xi32>
      %dma_start3A_237 = arith.constant 0 : i32
      %dma_start3A_238 = tpu.memref_slice %arg6[%add3A_234, %dma_start3A_237] : memref<384x32xf32, #tpu.memory_space<vmem>> -> memref<1x32xf32, #tpu.memory_space<vmem>>
      %dma_start3A_239 = arith.constant 0 : i32
      %dma_start3A_240 = tpu.memref_slice %arg2[%squeeze3A_236, %dma_start3A_239] : memref<1000000x32xf32, #tpu.memory_space<hbm>> -> memref<1x32xf32, #tpu.memory_space<hbm>>
      %dma_start3A_241 = arith.constant 0 : i32
      %dma_start3A_242 = tpu.memref_slice %arg6[%add3A_234, %dma_start3A_241] : memref<384x32xf32, #tpu.memory_space<vmem>> -> memref<1x32xf32, #tpu.memory_space<vmem>>
      %dma_start3A_243 = arith.constant 0 : i32
      %dma_start3A_244 = tpu.memref_slice %arg2[%squeeze3A_236, %dma_start3A_243] : memref<1000000x32xf32, #tpu.memory_space<hbm>> -> memref<1x32xf32, #tpu.memory_space<hbm>>
      tpu.enqueue_dma source(%dma_start3A_244 : memref<1x32xf32, #tpu.memory_space<hbm>>) target(%dma_start3A_242 : memref<1x32xf32, #tpu.memory_space<vmem>>) target_semaphore(%arg7 : memref<!tpu.dma_semaphore, #tpu.memory_space<semaphore_mem>>)
      %mul3A_245 = arith.constant 16 : i32
      %mul3A_246 = arith.muli %scan3A_81, %mul3A_245 : i32
      %add3A_247 = arith.constant 0 : i32
      %add3A_248 = arith.addi %add3A_247, %mul3A_246 : i32
      %add3A_249 = arith.constant 10 : i32
      %add3A_250 = arith.addi %add3A_248, %add3A_249 : i32
      %slice3A_251 = vector.extract_strided_slice %get3A_87 {offsets = [10], sizes = [1], strides = [1]} : vector<16xi32> to vector<1xi32>
      %squeeze3A_252 = vector.extract %slice3A_251[0] : i32 from vector<1xi32>
      %dma_start3A_253 = arith.constant 0 : i32
      %dma_start3A_254 = tpu.memref_slice %arg6[%add3A_250, %dma_start3A_253] : memref<384x32xf32, #tpu.memory_space<vmem>> -> memref<1x32xf32, #tpu.memory_space<vmem>>
      %dma_start3A_255 = arith.constant 0 : i32
      %dma_start3A_256 = tpu.memref_slice %arg2[%squeeze3A_252, %dma_start3A_255] : memref<1000000x32xf32, #tpu.memory_space<hbm>> -> memref<1x32xf32, #tpu.memory_space<hbm>>
      %dma_start3A_257 = arith.constant 0 : i32
      %dma_start3A_258 = tpu.memref_slice %arg6[%add3A_250, %dma_start3A_257] : memref<384x32xf32, #tpu.memory_space<vmem>> -> memref<1x32xf32, #tpu.memory_space<vmem>>
      %dma_start3A_259 = arith.constant 0 : i32
      %dma_start3A_260 = tpu.memref_slice %arg2[%squeeze3A_252, %dma_start3A_259] : memref<1000000x32xf32, #tpu.memory_space<hbm>> -> memref<1x32xf32, #tpu.memory_space<hbm>>
      tpu.enqueue_dma source(%dma_start3A_260 : memref<1x32xf32, #tpu.memory_space<hbm>>) target(%dma_start3A_258 : memref<1x32xf32, #tpu.memory_space<vmem>>) target_semaphore(%arg7 : memref<!tpu.dma_semaphore, #tpu.memory_space<semaphore_mem>>)
      %mul3A_261 = arith.constant 16 : i32
      %mul3A_262 = arith.muli %scan3A_81, %mul3A_261 : i32
      %add3A_263 = arith.constant 0 : i32
      %add3A_264 = arith.addi %add3A_263, %mul3A_262 : i32
      %add3A_265 = arith.constant 11 : i32
      %add3A_266 = arith.addi %add3A_264, %add3A_265 : i32
      %slice3A_267 = vector.extract_strided_slice %get3A_87 {offsets = [11], sizes = [1], strides = [1]} : vector<16xi32> to vector<1xi32>
      %squeeze3A_268 = vector.extract %slice3A_267[0] : i32 from vector<1xi32>
      %dma_start3A_269 = arith.constant 0 : i32
      %dma_start3A_270 = tpu.memref_slice %arg6[%add3A_266, %dma_start3A_269] : memref<384x32xf32, #tpu.memory_space<vmem>> -> memref<1x32xf32, #tpu.memory_space<vmem>>
      %dma_start3A_271 = arith.constant 0 : i32
      %dma_start3A_272 = tpu.memref_slice %arg2[%squeeze3A_268, %dma_start3A_271] : memref<1000000x32xf32, #tpu.memory_space<hbm>> -> memref<1x32xf32, #tpu.memory_space<hbm>>
      %dma_start3A_273 = arith.constant 0 : i32
      %dma_start3A_274 = tpu.memref_slice %arg6[%add3A_266, %dma_start3A_273] : memref<384x32xf32, #tpu.memory_space<vmem>> -> memref<1x32xf32, #tpu.memory_space<vmem>>
      %dma_start3A_275 = arith.constant 0 : i32
      %dma_start3A_276 = tpu.memref_slice %arg2[%squeeze3A_268, %dma_start3A_275] : memref<1000000x32xf32, #tpu.memory_space<hbm>> -> memref<1x32xf32, #tpu.memory_space<hbm>>
      tpu.enqueue_dma source(%dma_start3A_276 : memref<1x32xf32, #tpu.memory_space<hbm>>) target(%dma_start3A_274 : memref<1x32xf32, #tpu.memory_space<vmem>>) target_semaphore(%arg7 : memref<!tpu.dma_semaphore, #tpu.memory_space<semaphore_mem>>)
      %mul3A_277 = arith.constant 16 : i32
      %mul3A_278 = arith.muli %scan3A_81, %mul3A_277 : i32
      %add3A_279 = arith.constant 0 : i32
      %add3A_280 = arith.addi %add3A_279, %mul3A_278 : i32
      %add3A_281 = arith.constant 12 : i32
      %add3A_282 = arith.addi %add3A_280, %add3A_281 : i32
      %slice3A_283 = vector.extract_strided_slice %get3A_87 {offsets = [12], sizes = [1], strides = [1]} : vector<16xi32> to vector<1xi32>
      %squeeze3A_284 = vector.extract %slice3A_283[0] : i32 from vector<1xi32>
      %dma_start3A_285 = arith.constant 0 : i32
      %dma_start3A_286 = tpu.memref_slice %arg6[%add3A_282, %dma_start3A_285] : memref<384x32xf32, #tpu.memory_space<vmem>> -> memref<1x32xf32, #tpu.memory_space<vmem>>
      %dma_start3A_287 = arith.constant 0 : i32
      %dma_start3A_288 = tpu.memref_slice %arg2[%squeeze3A_284, %dma_start3A_287] : memref<1000000x32xf32, #tpu.memory_space<hbm>> -> memref<1x32xf32, #tpu.memory_space<hbm>>
      %dma_start3A_289 = arith.constant 0 : i32
      %dma_start3A_290 = tpu.memref_slice %arg6[%add3A_282, %dma_start3A_289] : memref<384x32xf32, #tpu.memory_space<vmem>> -> memref<1x32xf32, #tpu.memory_space<vmem>>
      %dma_start3A_291 = arith.constant 0 : i32
      %dma_start3A_292 = tpu.memref_slice %arg2[%squeeze3A_284, %dma_start3A_291] : memref<1000000x32xf32, #tpu.memory_space<hbm>> -> memref<1x32xf32, #tpu.memory_space<hbm>>
      tpu.enqueue_dma source(%dma_start3A_292 : memref<1x32xf32, #tpu.memory_space<hbm>>) target(%dma_start3A_290 : memref<1x32xf32, #tpu.memory_space<vmem>>) target_semaphore(%arg7 : memref<!tpu.dma_semaphore, #tpu.memory_space<semaphore_mem>>)
      %mul3A_293 = arith.constant 16 : i32
      %mul3A_294 = arith.muli %scan3A_81, %mul3A_293 : i32
      %add3A_295 = arith.constant 0 : i32
      %add3A_296 = arith.addi %add3A_295, %mul3A_294 : i32
      %add3A_297 = arith.constant 13 : i32
      %add3A_298 = arith.addi %add3A_296, %add3A_297 : i32
      %slice3A_299 = vector.extract_strided_slice %get3A_87 {offsets = [13], sizes = [1], strides = [1]} : vector<16xi32> to vector<1xi32>
      %squeeze3A_300 = vector.extract %slice3A_299[0] : i32 from vector<1xi32>
      %dma_start3A_301 = arith.constant 0 : i32
      %dma_start3A_302 = tpu.memref_slice %arg6[%add3A_298, %dma_start3A_301] : memref<384x32xf32, #tpu.memory_space<vmem>> -> memref<1x32xf32, #tpu.memory_space<vmem>>
      %dma_start3A_303 = arith.constant 0 : i32
      %dma_start3A_304 = tpu.memref_slice %arg2[%squeeze3A_300, %dma_start3A_303] : memref<1000000x32xf32, #tpu.memory_space<hbm>> -> memref<1x32xf32, #tpu.memory_space<hbm>>
      %dma_start3A_305 = arith.constant 0 : i32
      %dma_start3A_306 = tpu.memref_slice %arg6[%add3A_298, %dma_start3A_305] : memref<384x32xf32, #tpu.memory_space<vmem>> -> memref<1x32xf32, #tpu.memory_space<vmem>>
      %dma_start3A_307 = arith.constant 0 : i32
      %dma_start3A_308 = tpu.memref_slice %arg2[%squeeze3A_300, %dma_start3A_307] : memref<1000000x32xf32, #tpu.memory_space<hbm>> -> memref<1x32xf32, #tpu.memory_space<hbm>>
      tpu.enqueue_dma source(%dma_start3A_308 : memref<1x32xf32, #tpu.memory_space<hbm>>) target(%dma_start3A_306 : memref<1x32xf32, #tpu.memory_space<vmem>>) target_semaphore(%arg7 : memref<!tpu.dma_semaphore, #tpu.memory_space<semaphore_mem>>)
      %mul3A_309 = arith.constant 16 : i32
      %mul3A_310 = arith.muli %scan3A_81, %mul3A_309 : i32
      %add3A_311 = arith.constant 0 : i32
      %add3A_312 = arith.addi %add3A_311, %mul3A_310 : i32
      %add3A_313 = arith.constant 14 : i32
      %add3A_314 = arith.addi %add3A_312, %add3A_313 : i32
      %slice3A_315 = vector.extract_strided_slice %get3A_87 {offsets = [14], sizes = [1], strides = [1]} : vector<16xi32> to vector<1xi32>
      %squeeze3A_316 = vector.extract %slice3A_315[0] : i32 from vector<1xi32>
      %dma_start3A_317 = arith.constant 0 : i32
      %dma_start3A_318 = tpu.memref_slice %arg6[%add3A_314, %dma_start3A_317] : memref<384x32xf32, #tpu.memory_space<vmem>> -> memref<1x32xf32, #tpu.memory_space<vmem>>
      %dma_start3A_319 = arith.constant 0 : i32
      %dma_start3A_320 = tpu.memref_slice %arg2[%squeeze3A_316, %dma_start3A_319] : memref<1000000x32xf32, #tpu.memory_space<hbm>> -> memref<1x32xf32, #tpu.memory_space<hbm>>
      %dma_start3A_321 = arith.constant 0 : i32
      %dma_start3A_322 = tpu.memref_slice %arg6[%add3A_314, %dma_start3A_321] : memref<384x32xf32, #tpu.memory_space<vmem>> -> memref<1x32xf32, #tpu.memory_space<vmem>>
      %dma_start3A_323 = arith.constant 0 : i32
      %dma_start3A_324 = tpu.memref_slice %arg2[%squeeze3A_316, %dma_start3A_323] : memref<1000000x32xf32, #tpu.memory_space<hbm>> -> memref<1x32xf32, #tpu.memory_space<hbm>>
      tpu.enqueue_dma source(%dma_start3A_324 : memref<1x32xf32, #tpu.memory_space<hbm>>) target(%dma_start3A_322 : memref<1x32xf32, #tpu.memory_space<vmem>>) target_semaphore(%arg7 : memref<!tpu.dma_semaphore, #tpu.memory_space<semaphore_mem>>)
      %mul3A_325 = arith.constant 16 : i32
      %mul3A_326 = arith.muli %scan3A_81, %mul3A_325 : i32
      %add3A_327 = arith.constant 0 : i32
      %add3A_328 = arith.addi %add3A_327, %mul3A_326 : i32
      %add3A_329 = arith.constant 15 : i32
      %add3A_330 = arith.addi %add3A_328, %add3A_329 : i32
      %slice3A_331 = vector.extract_strided_slice %get3A_87 {offsets = [15], sizes = [1], strides = [1]} : vector<16xi32> to vector<1xi32>
      %squeeze3A_332 = vector.extract %slice3A_331[0] : i32 from vector<1xi32>
      %dma_start3A_333 = arith.constant 0 : i32
      %dma_start3A_334 = tpu.memref_slice %arg6[%add3A_330, %dma_start3A_333] : memref<384x32xf32, #tpu.memory_space<vmem>> -> memref<1x32xf32, #tpu.memory_space<vmem>>
      %dma_start3A_335 = arith.constant 0 : i32
      %dma_start3A_336 = tpu.memref_slice %arg2[%squeeze3A_332, %dma_start3A_335] : memref<1000000x32xf32, #tpu.memory_space<hbm>> -> memref<1x32xf32, #tpu.memory_space<hbm>>
      %dma_start3A_337 = arith.constant 0 : i32
      %dma_start3A_338 = tpu.memref_slice %arg6[%add3A_330, %dma_start3A_337] : memref<384x32xf32, #tpu.memory_space<vmem>> -> memref<1x32xf32, #tpu.memory_space<vmem>>
      %dma_start3A_339 = arith.constant 0 : i32
      %dma_start3A_340 = tpu.memref_slice %arg2[%squeeze3A_332, %dma_start3A_339] : memref<1000000x32xf32, #tpu.memory_space<hbm>> -> memref<1x32xf32, #tpu.memory_space<hbm>>
      tpu.enqueue_dma source(%dma_start3A_340 : memref<1x32xf32, #tpu.memory_space<hbm>>) target(%dma_start3A_338 : memref<1x32xf32, #tpu.memory_space<vmem>>) target_semaphore(%arg7 : memref<!tpu.dma_semaphore, #tpu.memory_space<semaphore_mem>>)
    }
    %scan3A_7 = arith.constant 6 : i32
    %scan3A_8 = arith.constant 0 : i32
    %scan3A_9 = arith.constant 0 : i32
    %scan3A_10 = arith.constant 6 : i32
    %scan3A_11 = arith.addi %scan3A_9, %scan3A_10 : i32
    %scan3A_12 = arith.constant 1 : i32
    scf.for %scan3A_81 = %scan3A_9 to %scan3A_11 step %scan3A_12  : i32 {
      %mul3A_82 = arith.constant 16 : i32
      %mul3A_83 = arith.muli %scan3A_81, %mul3A_82 : i32
      %add3A_84 = arith.constant 96 : i32
      %add3A_85 = arith.addi %add3A_84, %mul3A_83 : i32
      %get3A = arith.index_cast %add3A_85 : i32 to index
      %get3A_86 = tpu.vector_load %arg5[%get3A] {strides = array<i32>} : memref<384xi32, #tpu.memory_space<vmem>>, vector<16xi32>,
      %get3A_87 = vector.shape_cast %get3A_86 : vector<16xi32> to vector<16xi32>
      %mul3A_88 = arith.constant 16 : i32
      %mul3A_89 = arith.muli %scan3A_81, %mul3A_88 : i32
      %add3A_90 = arith.constant 96 : i32
      %add3A_91 = arith.addi %add3A_90, %mul3A_89 : i32
      %add3A_92 = arith.constant 0 : i32
      %add3A_93 = arith.addi %add3A_91, %add3A_92 : i32
      %slice3A = vector.extract_strided_slice %get3A_87 {offsets = [0], sizes = [1], strides = [1]} : vector<16xi32> to vector<1xi32>
      %squeeze3A = vector.extract %slice3A[0] : i32 from vector<1xi32>
      %dma_start3A = arith.constant 0 : i32
      %dma_start3A_94 = tpu.memref_slice %arg6[%add3A_93, %dma_start3A] : memref<384x32xf32, #tpu.memory_space<vmem>> -> memref<1x32xf32, #tpu.memory_space<vmem>>
      %dma_start3A_95 = arith.constant 0 : i32
      %dma_start3A_96 = tpu.memref_slice %arg2[%squeeze3A, %dma_start3A_95] : memref<1000000x32xf32, #tpu.memory_space<hbm>> -> memref<1x32xf32, #tpu.memory_space<hbm>>
      %dma_start3A_97 = arith.constant 0 : i32
      %dma_start3A_98 = tpu.memref_slice %arg6[%add3A_93, %dma_start3A_97] : memref<384x32xf32, #tpu.memory_space<vmem>> -> memref<1x32xf32, #tpu.memory_space<vmem>>
      %dma_start3A_99 = arith.constant 0 : i32
      %dma_start3A_100 = tpu.memref_slice %arg2[%squeeze3A, %dma_start3A_99] : memref<1000000x32xf32, #tpu.memory_space<hbm>> -> memref<1x32xf32, #tpu.memory_space<hbm>>
      tpu.enqueue_dma source(%dma_start3A_100 : memref<1x32xf32, #tpu.memory_space<hbm>>) target(%dma_start3A_98 : memref<1x32xf32, #tpu.memory_space<vmem>>) target_semaphore(%arg8 : memref<!tpu.dma_semaphore, #tpu.memory_space<semaphore_mem>>)
      %mul3A_101 = arith.constant 16 : i32
      %mul3A_102 = arith.muli %scan3A_81, %mul3A_101 : i32
      %add3A_103 = arith.constant 96 : i32
      %add3A_104 = arith.addi %add3A_103, %mul3A_102 : i32
      %add3A_105 = arith.constant 1 : i32
      %add3A_106 = arith.addi %add3A_104, %add3A_105 : i32
      %slice3A_107 = vector.extract_strided_slice %get3A_87 {offsets = [1], sizes = [1], strides = [1]} : vector<16xi32> to vector<1xi32>
      %squeeze3A_108 = vector.extract %slice3A_107[0] : i32 from vector<1xi32>
      %dma_start3A_109 = arith.constant 0 : i32
      %dma_start3A_110 = tpu.memref_slice %arg6[%add3A_106, %dma_start3A_109] : memref<384x32xf32, #tpu.memory_space<vmem>> -> memref<1x32xf32, #tpu.memory_space<vmem>>
      %dma_start3A_111 = arith.constant 0 : i32
      %dma_start3A_112 = tpu.memref_slice %arg2[%squeeze3A_108, %dma_start3A_111] : memref<1000000x32xf32, #tpu.memory_space<hbm>> -> memref<1x32xf32, #tpu.memory_space<hbm>>
      %dma_start3A_113 = arith.constant 0 : i32
      %dma_start3A_114 = tpu.memref_slice %arg6[%add3A_106, %dma_start3A_113] : memref<384x32xf32, #tpu.memory_space<vmem>> -> memref<1x32xf32, #tpu.memory_space<vmem>>
      %dma_start3A_115 = arith.constant 0 : i32
      %dma_start3A_116 = tpu.memref_slice %arg2[%squeeze3A_108, %dma_start3A_115] : memref<1000000x32xf32, #tpu.memory_space<hbm>> -> memref<1x32xf32, #tpu.memory_space<hbm>>
      tpu.enqueue_dma source(%dma_start3A_116 : memref<1x32xf32, #tpu.memory_space<hbm>>) target(%dma_start3A_114 : memref<1x32xf32, #tpu.memory_space<vmem>>) target_semaphore(%arg8 : memref<!tpu.dma_semaphore, #tpu.memory_space<semaphore_mem>>)
      %mul3A_117 = arith.constant 16 : i32
      %mul3A_118 = arith.muli %scan3A_81, %mul3A_117 : i32
      %add3A_119 = arith.constant 96 : i32
      %add3A_120 = arith.addi %add3A_119, %mul3A_118 : i32
      %add3A_121 = arith.constant 2 : i32
      %add3A_122 = arith.addi %add3A_120, %add3A_121 : i32
      %slice3A_123 = vector.extract_strided_slice %get3A_87 {offsets = [2], sizes = [1], strides = [1]} : vector<16xi32> to vector<1xi32>
      %squeeze3A_124 = vector.extract %slice3A_123[0] : i32 from vector<1xi32>
      %dma_start3A_125 = arith.constant 0 : i32
      %dma_start3A_126 = tpu.memref_slice %arg6[%add3A_122, %dma_start3A_125] : memref<384x32xf32, #tpu.memory_space<vmem>> -> memref<1x32xf32, #tpu.memory_space<vmem>>
      %dma_start3A_127 = arith.constant 0 : i32
      %dma_start3A_128 = tpu.memref_slice %arg2[%squeeze3A_124, %dma_start3A_127] : memref<1000000x32xf32, #tpu.memory_space<hbm>> -> memref<1x32xf32, #tpu.memory_space<hbm>>
      %dma_start3A_129 = arith.constant 0 : i32
      %dma_start3A_130 = tpu.memref_slice %arg6[%add3A_122, %dma_start3A_129] : memref<384x32xf32, #tpu.memory_space<vmem>> -> memref<1x32xf32, #tpu.memory_space<vmem>>
      %dma_start3A_131 = arith.constant 0 : i32
      %dma_start3A_132 = tpu.memref_slice %arg2[%squeeze3A_124, %dma_start3A_131] : memref<1000000x32xf32, #tpu.memory_space<hbm>> -> memref<1x32xf32, #tpu.memory_space<hbm>>
      tpu.enqueue_dma source(%dma_start3A_132 : memref<1x32xf32, #tpu.memory_space<hbm>>) target(%dma_start3A_130 : memref<1x32xf32, #tpu.memory_space<vmem>>) target_semaphore(%arg8 : memref<!tpu.dma_semaphore, #tpu.memory_space<semaphore_mem>>)
      %mul3A_133 = arith.constant 16 : i32
      %mul3A_134 = arith.muli %scan3A_81, %mul3A_133 : i32
      %add3A_135 = arith.constant 96 : i32
      %add3A_136 = arith.addi %add3A_135, %mul3A_134 : i32
      %add3A_137 = arith.constant 3 : i32
      %add3A_138 = arith.addi %add3A_136, %add3A_137 : i32
      %slice3A_139 = vector.extract_strided_slice %get3A_87 {offsets = [3], sizes = [1], strides = [1]} : vector<16xi32> to vector<1xi32>
      %squeeze3A_140 = vector.extract %slice3A_139[0] : i32 from vector<1xi32>
      %dma_start3A_141 = arith.constant 0 : i32
      %dma_start3A_142 = tpu.memref_slice %arg6[%add3A_138, %dma_start3A_141] : memref<384x32xf32, #tpu.memory_space<vmem>> -> memref<1x32xf32, #tpu.memory_space<vmem>>
      %dma_start3A_143 = arith.constant 0 : i32
      %dma_start3A_144 = tpu.memref_slice %arg2[%squeeze3A_140, %dma_start3A_143] : memref<1000000x32xf32, #tpu.memory_space<hbm>> -> memref<1x32xf32, #tpu.memory_space<hbm>>
      %dma_start3A_145 = arith.constant 0 : i32
      %dma_start3A_146 = tpu.memref_slice %arg6[%add3A_138, %dma_start3A_145] : memref<384x32xf32, #tpu.memory_space<vmem>> -> memref<1x32xf32, #tpu.memory_space<vmem>>
      %dma_start3A_147 = arith.constant 0 : i32
      %dma_start3A_148 = tpu.memref_slice %arg2[%squeeze3A_140, %dma_start3A_147] : memref<1000000x32xf32, #tpu.memory_space<hbm>> -> memref<1x32xf32, #tpu.memory_space<hbm>>
      tpu.enqueue_dma source(%dma_start3A_148 : memref<1x32xf32, #tpu.memory_space<hbm>>) target(%dma_start3A_146 : memref<1x32xf32, #tpu.memory_space<vmem>>) target_semaphore(%arg8 : memref<!tpu.dma_semaphore, #tpu.memory_space<semaphore_mem>>)
      %mul3A_149 = arith.constant 16 : i32
      %mul3A_150 = arith.muli %scan3A_81, %mul3A_149 : i32
      %add3A_151 = arith.constant 96 : i32
      %add3A_152 = arith.addi %add3A_151, %mul3A_150 : i32
      %add3A_153 = arith.constant 4 : i32
      %add3A_154 = arith.addi %add3A_152, %add3A_153 : i32
      %slice3A_155 = vector.extract_strided_slice %get3A_87 {offsets = [4], sizes = [1], strides = [1]} : vector<16xi32> to vector<1xi32>
      %squeeze3A_156 = vector.extract %slice3A_155[0] : i32 from vector<1xi32>
      %dma_start3A_157 = arith.constant 0 : i32
      %dma_start3A_158 = tpu.memref_slice %arg6[%add3A_154, %dma_start3A_157] : memref<384x32xf32, #tpu.memory_space<vmem>> -> memref<1x32xf32, #tpu.memory_space<vmem>>
      %dma_start3A_159 = arith.constant 0 : i32
      %dma_start3A_160 = tpu.memref_slice %arg2[%squeeze3A_156, %dma_start3A_159] : memref<1000000x32xf32, #tpu.memory_space<hbm>> -> memref<1x32xf32, #tpu.memory_space<hbm>>
      %dma_start3A_161 = arith.constant 0 : i32
      %dma_start3A_162 = tpu.memref_slice %arg6[%add3A_154, %dma_start3A_161] : memref<384x32xf32, #tpu.memory_space<vmem>> -> memref<1x32xf32, #tpu.memory_space<vmem>>
      %dma_start3A_163 = arith.constant 0 : i32
      %dma_start3A_164 = tpu.memref_slice %arg2[%squeeze3A_156, %dma_start3A_163] : memref<1000000x32xf32, #tpu.memory_space<hbm>> -> memref<1x32xf32, #tpu.memory_space<hbm>>
      tpu.enqueue_dma source(%dma_start3A_164 : memref<1x32xf32, #tpu.memory_space<hbm>>) target(%dma_start3A_162 : memref<1x32xf32, #tpu.memory_space<vmem>>) target_semaphore(%arg8 : memref<!tpu.dma_semaphore, #tpu.memory_space<semaphore_mem>>)
      %mul3A_165 = arith.constant 16 : i32
      %mul3A_166 = arith.muli %scan3A_81, %mul3A_165 : i32
      %add3A_167 = arith.constant 96 : i32
      %add3A_168 = arith.addi %add3A_167, %mul3A_166 : i32
      %add3A_169 = arith.constant 5 : i32
      %add3A_170 = arith.addi %add3A_168, %add3A_169 : i32
      %slice3A_171 = vector.extract_strided_slice %get3A_87 {offsets = [5], sizes = [1], strides = [1]} : vector<16xi32> to vector<1xi32>
      %squeeze3A_172 = vector.extract %slice3A_171[0] : i32 from vector<1xi32>
      %dma_start3A_173 = arith.constant 0 : i32
      %dma_start3A_174 = tpu.memref_slice %arg6[%add3A_170, %dma_start3A_173] : memref<384x32xf32, #tpu.memory_space<vmem>> -> memref<1x32xf32, #tpu.memory_space<vmem>>
      %dma_start3A_175 = arith.constant 0 : i32
      %dma_start3A_176 = tpu.memref_slice %arg2[%squeeze3A_172, %dma_start3A_175] : memref<1000000x32xf32, #tpu.memory_space<hbm>> -> memref<1x32xf32, #tpu.memory_space<hbm>>
      %dma_start3A_177 = arith.constant 0 : i32
      %dma_start3A_178 = tpu.memref_slice %arg6[%add3A_170, %dma_start3A_177] : memref<384x32xf32, #tpu.memory_space<vmem>> -> memref<1x32xf32, #tpu.memory_space<vmem>>
      %dma_start3A_179 = arith.constant 0 : i32
      %dma_start3A_180 = tpu.memref_slice %arg2[%squeeze3A_172, %dma_start3A_179] : memref<1000000x32xf32, #tpu.memory_space<hbm>> -> memref<1x32xf32, #tpu.memory_space<hbm>>
      tpu.enqueue_dma source(%dma_start3A_180 : memref<1x32xf32, #tpu.memory_space<hbm>>) target(%dma_start3A_178 : memref<1x32xf32, #tpu.memory_space<vmem>>) target_semaphore(%arg8 : memref<!tpu.dma_semaphore, #tpu.memory_space<semaphore_mem>>)
      %mul3A_181 = arith.constant 16 : i32
      %mul3A_182 = arith.muli %scan3A_81, %mul3A_181 : i32
      %add3A_183 = arith.constant 96 : i32
      %add3A_184 = arith.addi %add3A_183, %mul3A_182 : i32
      %add3A_185 = arith.constant 6 : i32
      %add3A_186 = arith.addi %add3A_184, %add3A_185 : i32
      %slice3A_187 = vector.extract_strided_slice %get3A_87 {offsets = [6], sizes = [1], strides = [1]} : vector<16xi32> to vector<1xi32>
      %squeeze3A_188 = vector.extract %slice3A_187[0] : i32 from vector<1xi32>
      %dma_start3A_189 = arith.constant 0 : i32
      %dma_start3A_190 = tpu.memref_slice %arg6[%add3A_186, %dma_start3A_189] : memref<384x32xf32, #tpu.memory_space<vmem>> -> memref<1x32xf32, #tpu.memory_space<vmem>>
      %dma_start3A_191 = arith.constant 0 : i32
      %dma_start3A_192 = tpu.memref_slice %arg2[%squeeze3A_188, %dma_start3A_191] : memref<1000000x32xf32, #tpu.memory_space<hbm>> -> memref<1x32xf32, #tpu.memory_space<hbm>>
      %dma_start3A_193 = arith.constant 0 : i32
      %dma_start3A_194 = tpu.memref_slice %arg6[%add3A_186, %dma_start3A_193] : memref<384x32xf32, #tpu.memory_space<vmem>> -> memref<1x32xf32, #tpu.memory_space<vmem>>
      %dma_start3A_195 = arith.constant 0 : i32
      %dma_start3A_196 = tpu.memref_slice %arg2[%squeeze3A_188, %dma_start3A_195] : memref<1000000x32xf32, #tpu.memory_space<hbm>> -> memref<1x32xf32, #tpu.memory_space<hbm>>
      tpu.enqueue_dma source(%dma_start3A_196 : memref<1x32xf32, #tpu.memory_space<hbm>>) target(%dma_start3A_194 : memref<1x32xf32, #tpu.memory_space<vmem>>) target_semaphore(%arg8 : memref<!tpu.dma_semaphore, #tpu.memory_space<semaphore_mem>>)
      %mul3A_197 = arith.constant 16 : i32
      %mul3A_198 = arith.muli %scan3A_81, %mul3A_197 : i32
      %add3A_199 = arith.constant 96 : i32
      %add3A_200 = arith.addi %add3A_199, %mul3A_198 : i32
      %add3A_201 = arith.constant 7 : i32
      %add3A_202 = arith.addi %add3A_200, %add3A_201 : i32
      %slice3A_203 = vector.extract_strided_slice %get3A_87 {offsets = [7], sizes = [1], strides = [1]} : vector<16xi32> to vector<1xi32>
      %squeeze3A_204 = vector.extract %slice3A_203[0] : i32 from vector<1xi32>
      %dma_start3A_205 = arith.constant 0 : i32
      %dma_start3A_206 = tpu.memref_slice %arg6[%add3A_202, %dma_start3A_205] : memref<384x32xf32, #tpu.memory_space<vmem>> -> memref<1x32xf32, #tpu.memory_space<vmem>>
      %dma_start3A_207 = arith.constant 0 : i32
      %dma_start3A_208 = tpu.memref_slice %arg2[%squeeze3A_204, %dma_start3A_207] : memref<1000000x32xf32, #tpu.memory_space<hbm>> -> memref<1x32xf32, #tpu.memory_space<hbm>>
      %dma_start3A_209 = arith.constant 0 : i32
      %dma_start3A_210 = tpu.memref_slice %arg6[%add3A_202, %dma_start3A_209] : memref<384x32xf32, #tpu.memory_space<vmem>> -> memref<1x32xf32, #tpu.memory_space<vmem>>
      %dma_start3A_211 = arith.constant 0 : i32
      %dma_start3A_212 = tpu.memref_slice %arg2[%squeeze3A_204, %dma_start3A_211] : memref<1000000x32xf32, #tpu.memory_space<hbm>> -> memref<1x32xf32, #tpu.memory_space<hbm>>
      tpu.enqueue_dma source(%dma_start3A_212 : memref<1x32xf32, #tpu.memory_space<hbm>>) target(%dma_start3A_210 : memref<1x32xf32, #tpu.memory_space<vmem>>) target_semaphore(%arg8 : memref<!tpu.dma_semaphore, #tpu.memory_space<semaphore_mem>>)
      %mul3A_213 = arith.constant 16 : i32
      %mul3A_214 = arith.muli %scan3A_81, %mul3A_213 : i32
      %add3A_215 = arith.constant 96 : i32
      %add3A_216 = arith.addi %add3A_215, %mul3A_214 : i32
      %add3A_217 = arith.constant 8 : i32
      %add3A_218 = arith.addi %add3A_216, %add3A_217 : i32
      %slice3A_219 = vector.extract_strided_slice %get3A_87 {offsets = [8], sizes = [1], strides = [1]} : vector<16xi32> to vector<1xi32>
      %squeeze3A_220 = vector.extract %slice3A_219[0] : i32 from vector<1xi32>
      %dma_start3A_221 = arith.constant 0 : i32
      %dma_start3A_222 = tpu.memref_slice %arg6[%add3A_218, %dma_start3A_221] : memref<384x32xf32, #tpu.memory_space<vmem>> -> memref<1x32xf32, #tpu.memory_space<vmem>>
      %dma_start3A_223 = arith.constant 0 : i32
      %dma_start3A_224 = tpu.memref_slice %arg2[%squeeze3A_220, %dma_start3A_223] : memref<1000000x32xf32, #tpu.memory_space<hbm>> -> memref<1x32xf32, #tpu.memory_space<hbm>>
      %dma_start3A_225 = arith.constant 0 : i32
      %dma_start3A_226 = tpu.memref_slice %arg6[%add3A_218, %dma_start3A_225] : memref<384x32xf32, #tpu.memory_space<vmem>> -> memref<1x32xf32, #tpu.memory_space<vmem>>
      %dma_start3A_227 = arith.constant 0 : i32
      %dma_start3A_228 = tpu.memref_slice %arg2[%squeeze3A_220, %dma_start3A_227] : memref<1000000x32xf32, #tpu.memory_space<hbm>> -> memref<1x32xf32, #tpu.memory_space<hbm>>
      tpu.enqueue_dma source(%dma_start3A_228 : memref<1x32xf32, #tpu.memory_space<hbm>>) target(%dma_start3A_226 : memref<1x32xf32, #tpu.memory_space<vmem>>) target_semaphore(%arg8 : memref<!tpu.dma_semaphore, #tpu.memory_space<semaphore_mem>>)
      %mul3A_229 = arith.constant 16 : i32
      %mul3A_230 = arith.muli %scan3A_81, %mul3A_229 : i32
      %add3A_231 = arith.constant 96 : i32
      %add3A_232 = arith.addi %add3A_231, %mul3A_230 : i32
      %add3A_233 = arith.constant 9 : i32
      %add3A_234 = arith.addi %add3A_232, %add3A_233 : i32
      %slice3A_235 = vector.extract_strided_slice %get3A_87 {offsets = [9], sizes = [1], strides = [1]} : vector<16xi32> to vector<1xi32>
      %squeeze3A_236 = vector.extract %slice3A_235[0] : i32 from vector<1xi32>
      %dma_start3A_237 = arith.constant 0 : i32
      %dma_start3A_238 = tpu.memref_slice %arg6[%add3A_234, %dma_start3A_237] : memref<384x32xf32, #tpu.memory_space<vmem>> -> memref<1x32xf32, #tpu.memory_space<vmem>>
      %dma_start3A_239 = arith.constant 0 : i32
      %dma_start3A_240 = tpu.memref_slice %arg2[%squeeze3A_236, %dma_start3A_239] : memref<1000000x32xf32, #tpu.memory_space<hbm>> -> memref<1x32xf32, #tpu.memory_space<hbm>>
      %dma_start3A_241 = arith.constant 0 : i32
      %dma_start3A_242 = tpu.memref_slice %arg6[%add3A_234, %dma_start3A_241] : memref<384x32xf32, #tpu.memory_space<vmem>> -> memref<1x32xf32, #tpu.memory_space<vmem>>
      %dma_start3A_243 = arith.constant 0 : i32
      %dma_start3A_244 = tpu.memref_slice %arg2[%squeeze3A_236, %dma_start3A_243] : memref<1000000x32xf32, #tpu.memory_space<hbm>> -> memref<1x32xf32, #tpu.memory_space<hbm>>
      tpu.enqueue_dma source(%dma_start3A_244 : memref<1x32xf32, #tpu.memory_space<hbm>>) target(%dma_start3A_242 : memref<1x32xf32, #tpu.memory_space<vmem>>) target_semaphore(%arg8 : memref<!tpu.dma_semaphore, #tpu.memory_space<semaphore_mem>>)
      %mul3A_245 = arith.constant 16 : i32
      %mul3A_246 = arith.muli %scan3A_81, %mul3A_245 : i32
      %add3A_247 = arith.constant 96 : i32
      %add3A_248 = arith.addi %add3A_247, %mul3A_246 : i32
      %add3A_249 = arith.constant 10 : i32
      %add3A_250 = arith.addi %add3A_248, %add3A_249 : i32
      %slice3A_251 = vector.extract_strided_slice %get3A_87 {offsets = [10], sizes = [1], strides = [1]} : vector<16xi32> to vector<1xi32>
      %squeeze3A_252 = vector.extract %slice3A_251[0] : i32 from vector<1xi32>
      %dma_start3A_253 = arith.constant 0 : i32
      %dma_start3A_254 = tpu.memref_slice %arg6[%add3A_250, %dma_start3A_253] : memref<384x32xf32, #tpu.memory_space<vmem>> -> memref<1x32xf32, #tpu.memory_space<vmem>>
      %dma_start3A_255 = arith.constant 0 : i32
      %dma_start3A_256 = tpu.memref_slice %arg2[%squeeze3A_252, %dma_start3A_255] : memref<1000000x32xf32, #tpu.memory_space<hbm>> -> memref<1x32xf32, #tpu.memory_space<hbm>>
      %dma_start3A_257 = arith.constant 0 : i32
      %dma_start3A_258 = tpu.memref_slice %arg6[%add3A_250, %dma_start3A_257] : memref<384x32xf32, #tpu.memory_space<vmem>> -> memref<1x32xf32, #tpu.memory_space<vmem>>
      %dma_start3A_259 = arith.constant 0 : i32
      %dma_start3A_260 = tpu.memref_slice %arg2[%squeeze3A_252, %dma_start3A_259] : memref<1000000x32xf32, #tpu.memory_space<hbm>> -> memref<1x32xf32, #tpu.memory_space<hbm>>
      tpu.enqueue_dma source(%dma_start3A_260 : memref<1x32xf32, #tpu.memory_space<hbm>>) target(%dma_start3A_258 : memref<1x32xf32, #tpu.memory_space<vmem>>) target_semaphore(%arg8 : memref<!tpu.dma_semaphore, #tpu.memory_space<semaphore_mem>>)
      %mul3A_261 = arith.constant 16 : i32
      %mul3A_262 = arith.muli %scan3A_81, %mul3A_261 : i32
      %add3A_263 = arith.constant 96 : i32
      %add3A_264 = arith.addi %add3A_263, %mul3A_262 : i32
      %add3A_265 = arith.constant 11 : i32
      %add3A_266 = arith.addi %add3A_264, %add3A_265 : i32
      %slice3A_267 = vector.extract_strided_slice %get3A_87 {offsets = [11], sizes = [1], strides = [1]} : vector<16xi32> to vector<1xi32>
      %squeeze3A_268 = vector.extract %slice3A_267[0] : i32 from vector<1xi32>
      %dma_start3A_269 = arith.constant 0 : i32
      %dma_start3A_270 = tpu.memref_slice %arg6[%add3A_266, %dma_start3A_269] : memref<384x32xf32, #tpu.memory_space<vmem>> -> memref<1x32xf32, #tpu.memory_space<vmem>>
      %dma_start3A_271 = arith.constant 0 : i32
      %dma_start3A_272 = tpu.memref_slice %arg2[%squeeze3A_268, %dma_start3A_271] : memref<1000000x32xf32, #tpu.memory_space<hbm>> -> memref<1x32xf32, #tpu.memory_space<hbm>>
      %dma_start3A_273 = arith.constant 0 : i32
      %dma_start3A_274 = tpu.memref_slice %arg6[%add3A_266, %dma_start3A_273] : memref<384x32xf32, #tpu.memory_space<vmem>> -> memref<1x32xf32, #tpu.memory_space<vmem>>
      %dma_start3A_275 = arith.constant 0 : i32
      %dma_start3A_276 = tpu.memref_slice %arg2[%squeeze3A_268, %dma_start3A_275] : memref<1000000x32xf32, #tpu.memory_space<hbm>> -> memref<1x32xf32, #tpu.memory_space<hbm>>
      tpu.enqueue_dma source(%dma_start3A_276 : memref<1x32xf32, #tpu.memory_space<hbm>>) target(%dma_start3A_274 : memref<1x32xf32, #tpu.memory_space<vmem>>) target_semaphore(%arg8 : memref<!tpu.dma_semaphore, #tpu.memory_space<semaphore_mem>>)
      %mul3A_277 = arith.constant 16 : i32
      %mul3A_278 = arith.muli %scan3A_81, %mul3A_277 : i32
      %add3A_279 = arith.constant 96 : i32
      %add3A_280 = arith.addi %add3A_279, %mul3A_278 : i32
      %add3A_281 = arith.constant 12 : i32
      %add3A_282 = arith.addi %add3A_280, %add3A_281 : i32
      %slice3A_283 = vector.extract_strided_slice %get3A_87 {offsets = [12], sizes = [1], strides = [1]} : vector<16xi32> to vector<1xi32>
      %squeeze3A_284 = vector.extract %slice3A_283[0] : i32 from vector<1xi32>
      %dma_start3A_285 = arith.constant 0 : i32
      %dma_start3A_286 = tpu.memref_slice %arg6[%add3A_282, %dma_start3A_285] : memref<384x32xf32, #tpu.memory_space<vmem>> -> memref<1x32xf32, #tpu.memory_space<vmem>>
      %dma_start3A_287 = arith.constant 0 : i32
      %dma_start3A_288 = tpu.memref_slice %arg2[%squeeze3A_284, %dma_start3A_287] : memref<1000000x32xf32, #tpu.memory_space<hbm>> -> memref<1x32xf32, #tpu.memory_space<hbm>>
      %dma_start3A_289 = arith.constant 0 : i32
      %dma_start3A_290 = tpu.memref_slice %arg6[%add3A_282, %dma_start3A_289] : memref<384x32xf32, #tpu.memory_space<vmem>> -> memref<1x32xf32, #tpu.memory_space<vmem>>
      %dma_start3A_291 = arith.constant 0 : i32
      %dma_start3A_292 = tpu.memref_slice %arg2[%squeeze3A_284, %dma_start3A_291] : memref<1000000x32xf32, #tpu.memory_space<hbm>> -> memref<1x32xf32, #tpu.memory_space<hbm>>
      tpu.enqueue_dma source(%dma_start3A_292 : memref<1x32xf32, #tpu.memory_space<hbm>>) target(%dma_start3A_290 : memref<1x32xf32, #tpu.memory_space<vmem>>) target_semaphore(%arg8 : memref<!tpu.dma_semaphore, #tpu.memory_space<semaphore_mem>>)
      %mul3A_293 = arith.constant 16 : i32
      %mul3A_294 = arith.muli %scan3A_81, %mul3A_293 : i32
      %add3A_295 = arith.constant 96 : i32
      %add3A_296 = arith.addi %add3A_295, %mul3A_294 : i32
      %add3A_297 = arith.constant 13 : i32
      %add3A_298 = arith.addi %add3A_296, %add3A_297 : i32
      %slice3A_299 = vector.extract_strided_slice %get3A_87 {offsets = [13], sizes = [1], strides = [1]} : vector<16xi32> to vector<1xi32>
      %squeeze3A_300 = vector.extract %slice3A_299[0] : i32 from vector<1xi32>
      %dma_start3A_301 = arith.constant 0 : i32
      %dma_start3A_302 = tpu.memref_slice %arg6[%add3A_298, %dma_start3A_301] : memref<384x32xf32, #tpu.memory_space<vmem>> -> memref<1x32xf32, #tpu.memory_space<vmem>>
      %dma_start3A_303 = arith.constant 0 : i32
      %dma_start3A_304 = tpu.memref_slice %arg2[%squeeze3A_300, %dma_start3A_303] : memref<1000000x32xf32, #tpu.memory_space<hbm>> -> memref<1x32xf32, #tpu.memory_space<hbm>>
      %dma_start3A_305 = arith.constant 0 : i32
      %dma_start3A_306 = tpu.memref_slice %arg6[%add3A_298, %dma_start3A_305] : memref<384x32xf32, #tpu.memory_space<vmem>> -> memref<1x32xf32, #tpu.memory_space<vmem>>
      %dma_start3A_307 = arith.constant 0 : i32
      %dma_start3A_308 = tpu.memref_slice %arg2[%squeeze3A_300, %dma_start3A_307] : memref<1000000x32xf32, #tpu.memory_space<hbm>> -> memref<1x32xf32, #tpu.memory_space<hbm>>
      tpu.enqueue_dma source(%dma_start3A_308 : memref<1x32xf32, #tpu.memory_space<hbm>>) target(%dma_start3A_306 : memref<1x32xf32, #tpu.memory_space<vmem>>) target_semaphore(%arg8 : memref<!tpu.dma_semaphore, #tpu.memory_space<semaphore_mem>>)
      %mul3A_309 = arith.constant 16 : i32
      %mul3A_310 = arith.muli %scan3A_81, %mul3A_309 : i32
      %add3A_311 = arith.constant 96 : i32
      %add3A_312 = arith.addi %add3A_311, %mul3A_310 : i32
      %add3A_313 = arith.constant 14 : i32
      %add3A_314 = arith.addi %add3A_312, %add3A_313 : i32
      %slice3A_315 = vector.extract_strided_slice %get3A_87 {offsets = [14], sizes = [1], strides = [1]} : vector<16xi32> to vector<1xi32>
      %squeeze3A_316 = vector.extract %slice3A_315[0] : i32 from vector<1xi32>
      %dma_start3A_317 = arith.constant 0 : i32
      %dma_start3A_318 = tpu.memref_slice %arg6[%add3A_314, %dma_start3A_317] : memref<384x32xf32, #tpu.memory_space<vmem>> -> memref<1x32xf32, #tpu.memory_space<vmem>>
      %dma_start3A_319 = arith.constant 0 : i32
      %dma_start3A_320 = tpu.memref_slice %arg2[%squeeze3A_316, %dma_start3A_319] : memref<1000000x32xf32, #tpu.memory_space<hbm>> -> memref<1x32xf32, #tpu.memory_space<hbm>>
      %dma_start3A_321 = arith.constant 0 : i32
      %dma_start3A_322 = tpu.memref_slice %arg6[%add3A_314, %dma_start3A_321] : memref<384x32xf32, #tpu.memory_space<vmem>> -> memref<1x32xf32, #tpu.memory_space<vmem>>
      %dma_start3A_323 = arith.constant 0 : i32
      %dma_start3A_324 = tpu.memref_slice %arg2[%squeeze3A_316, %dma_start3A_323] : memref<1000000x32xf32, #tpu.memory_space<hbm>> -> memref<1x32xf32, #tpu.memory_space<hbm>>
      tpu.enqueue_dma source(%dma_start3A_324 : memref<1x32xf32, #tpu.memory_space<hbm>>) target(%dma_start3A_322 : memref<1x32xf32, #tpu.memory_space<vmem>>) target_semaphore(%arg8 : memref<!tpu.dma_semaphore, #tpu.memory_space<semaphore_mem>>)
      %mul3A_325 = arith.constant 16 : i32
      %mul3A_326 = arith.muli %scan3A_81, %mul3A_325 : i32
      %add3A_327 = arith.constant 96 : i32
      %add3A_328 = arith.addi %add3A_327, %mul3A_326 : i32
      %add3A_329 = arith.constant 15 : i32
      %add3A_330 = arith.addi %add3A_328, %add3A_329 : i32
      %slice3A_331 = vector.extract_strided_slice %get3A_87 {offsets = [15], sizes = [1], strides = [1]} : vector<16xi32> to vector<1xi32>
      %squeeze3A_332 = vector.extract %slice3A_331[0] : i32 from vector<1xi32>
      %dma_start3A_333 = arith.constant 0 : i32
      %dma_start3A_334 = tpu.memref_slice %arg6[%add3A_330, %dma_start3A_333] : memref<384x32xf32, #tpu.memory_space<vmem>> -> memref<1x32xf32, #tpu.memory_space<vmem>>
      %dma_start3A_335 = arith.constant 0 : i32
      %dma_start3A_336 = tpu.memref_slice %arg2[%squeeze3A_332, %dma_start3A_335] : memref<1000000x32xf32, #tpu.memory_space<hbm>> -> memref<1x32xf32, #tpu.memory_space<hbm>>
      %dma_start3A_337 = arith.constant 0 : i32
      %dma_start3A_338 = tpu.memref_slice %arg6[%add3A_330, %dma_start3A_337] : memref<384x32xf32, #tpu.memory_space<vmem>> -> memref<1x32xf32, #tpu.memory_space<vmem>>
      %dma_start3A_339 = arith.constant 0 : i32
      %dma_start3A_340 = tpu.memref_slice %arg2[%squeeze3A_332, %dma_start3A_339] : memref<1000000x32xf32, #tpu.memory_space<hbm>> -> memref<1x32xf32, #tpu.memory_space<hbm>>
      tpu.enqueue_dma source(%dma_start3A_340 : memref<1x32xf32, #tpu.memory_space<hbm>>) target(%dma_start3A_338 : memref<1x32xf32, #tpu.memory_space<vmem>>) target_semaphore(%arg8 : memref<!tpu.dma_semaphore, #tpu.memory_space<semaphore_mem>>)
    }
    %scan3A_13 = arith.constant 6 : i32
    %scan3A_14 = arith.constant 0 : i32
    %scan3A_15 = arith.constant 0 : i32
    %scan3A_16 = arith.constant 6 : i32
    %scan3A_17 = arith.addi %scan3A_15, %scan3A_16 : i32
    %scan3A_18 = arith.constant 1 : i32
    scf.for %scan3A_81 = %scan3A_15 to %scan3A_17 step %scan3A_18  : i32 {
      %mul3A_82 = arith.constant 16 : i32
      %mul3A_83 = arith.muli %scan3A_81, %mul3A_82 : i32
      %add3A_84 = arith.constant 192 : i32
      %add3A_85 = arith.addi %add3A_84, %mul3A_83 : i32
      %get3A = arith.index_cast %add3A_85 : i32 to index
      %get3A_86 = tpu.vector_load %arg5[%get3A] {strides = array<i32>} : memref<384xi32, #tpu.memory_space<vmem>>, vector<16xi32>,
      %get3A_87 = vector.shape_cast %get3A_86 : vector<16xi32> to vector<16xi32>
      %mul3A_88 = arith.constant 16 : i32
      %mul3A_89 = arith.muli %scan3A_81, %mul3A_88 : i32
      %add3A_90 = arith.constant 192 : i32
      %add3A_91 = arith.addi %add3A_90, %mul3A_89 : i32
      %add3A_92 = arith.constant 0 : i32
      %add3A_93 = arith.addi %add3A_91, %add3A_92 : i32
      %slice3A = vector.extract_strided_slice %get3A_87 {offsets = [0], sizes = [1], strides = [1]} : vector<16xi32> to vector<1xi32>
      %squeeze3A = vector.extract %slice3A[0] : i32 from vector<1xi32>
      %dma_start3A = arith.constant 0 : i32
      %dma_start3A_94 = tpu.memref_slice %arg6[%add3A_93, %dma_start3A] : memref<384x32xf32, #tpu.memory_space<vmem>> -> memref<1x32xf32, #tpu.memory_space<vmem>>
      %dma_start3A_95 = arith.constant 0 : i32
      %dma_start3A_96 = tpu.memref_slice %arg2[%squeeze3A, %dma_start3A_95] : memref<1000000x32xf32, #tpu.memory_space<hbm>> -> memref<1x32xf32, #tpu.memory_space<hbm>>
      %dma_start3A_97 = arith.constant 0 : i32
      %dma_start3A_98 = tpu.memref_slice %arg6[%add3A_93, %dma_start3A_97] : memref<384x32xf32, #tpu.memory_space<vmem>> -> memref<1x32xf32, #tpu.memory_space<vmem>>
      %dma_start3A_99 = arith.constant 0 : i32
      %dma_start3A_100 = tpu.memref_slice %arg2[%squeeze3A, %dma_start3A_99] : memref<1000000x32xf32, #tpu.memory_space<hbm>> -> memref<1x32xf32, #tpu.memory_space<hbm>>
      tpu.enqueue_dma source(%dma_start3A_100 : memref<1x32xf32, #tpu.memory_space<hbm>>) target(%dma_start3A_98 : memref<1x32xf32, #tpu.memory_space<vmem>>) target_semaphore(%arg9 : memref<!tpu.dma_semaphore, #tpu.memory_space<semaphore_mem>>)
      %mul3A_101 = arith.constant 16 : i32
      %mul3A_102 = arith.muli %scan3A_81, %mul3A_101 : i32
      %add3A_103 = arith.constant 192 : i32
      %add3A_104 = arith.addi %add3A_103, %mul3A_102 : i32
      %add3A_105 = arith.constant 1 : i32
      %add3A_106 = arith.addi %add3A_104, %add3A_105 : i32
      %slice3A_107 = vector.extract_strided_slice %get3A_87 {offsets = [1], sizes = [1], strides = [1]} : vector<16xi32> to vector<1xi32>
      %squeeze3A_108 = vector.extract %slice3A_107[0] : i32 from vector<1xi32>
      %dma_start3A_109 = arith.constant 0 : i32
      %dma_start3A_110 = tpu.memref_slice %arg6[%add3A_106, %dma_start3A_109] : memref<384x32xf32, #tpu.memory_space<vmem>> -> memref<1x32xf32, #tpu.memory_space<vmem>>
      %dma_start3A_111 = arith.constant 0 : i32
      %dma_start3A_112 = tpu.memref_slice %arg2[%squeeze3A_108, %dma_start3A_111] : memref<1000000x32xf32, #tpu.memory_space<hbm>> -> memref<1x32xf32, #tpu.memory_space<hbm>>
      %dma_start3A_113 = arith.constant 0 : i32
      %dma_start3A_114 = tpu.memref_slice %arg6[%add3A_106, %dma_start3A_113] : memref<384x32xf32, #tpu.memory_space<vmem>> -> memref<1x32xf32, #tpu.memory_space<vmem>>
      %dma_start3A_115 = arith.constant 0 : i32
      %dma_start3A_116 = tpu.memref_slice %arg2[%squeeze3A_108, %dma_start3A_115] : memref<1000000x32xf32, #tpu.memory_space<hbm>> -> memref<1x32xf32, #tpu.memory_space<hbm>>
      tpu.enqueue_dma source(%dma_start3A_116 : memref<1x32xf32, #tpu.memory_space<hbm>>) target(%dma_start3A_114 : memref<1x32xf32, #tpu.memory_space<vmem>>) target_semaphore(%arg9 : memref<!tpu.dma_semaphore, #tpu.memory_space<semaphore_mem>>)
      %mul3A_117 = arith.constant 16 : i32
      %mul3A_118 = arith.muli %scan3A_81, %mul3A_117 : i32
      %add3A_119 = arith.constant 192 : i32
      %add3A_120 = arith.addi %add3A_119, %mul3A_118 : i32
      %add3A_121 = arith.constant 2 : i32
      %add3A_122 = arith.addi %add3A_120, %add3A_121 : i32
      %slice3A_123 = vector.extract_strided_slice %get3A_87 {offsets = [2], sizes = [1], strides = [1]} : vector<16xi32> to vector<1xi32>
      %squeeze3A_124 = vector.extract %slice3A_123[0] : i32 from vector<1xi32>
      %dma_start3A_125 = arith.constant 0 : i32
      %dma_start3A_126 = tpu.memref_slice %arg6[%add3A_122, %dma_start3A_125] : memref<384x32xf32, #tpu.memory_space<vmem>> -> memref<1x32xf32, #tpu.memory_space<vmem>>
      %dma_start3A_127 = arith.constant 0 : i32
      %dma_start3A_128 = tpu.memref_slice %arg2[%squeeze3A_124, %dma_start3A_127] : memref<1000000x32xf32, #tpu.memory_space<hbm>> -> memref<1x32xf32, #tpu.memory_space<hbm>>
      %dma_start3A_129 = arith.constant 0 : i32
      %dma_start3A_130 = tpu.memref_slice %arg6[%add3A_122, %dma_start3A_129] : memref<384x32xf32, #tpu.memory_space<vmem>> -> memref<1x32xf32, #tpu.memory_space<vmem>>
      %dma_start3A_131 = arith.constant 0 : i32
      %dma_start3A_132 = tpu.memref_slice %arg2[%squeeze3A_124, %dma_start3A_131] : memref<1000000x32xf32, #tpu.memory_space<hbm>> -> memref<1x32xf32, #tpu.memory_space<hbm>>
      tpu.enqueue_dma source(%dma_start3A_132 : memref<1x32xf32, #tpu.memory_space<hbm>>) target(%dma_start3A_130 : memref<1x32xf32, #tpu.memory_space<vmem>>) target_semaphore(%arg9 : memref<!tpu.dma_semaphore, #tpu.memory_space<semaphore_mem>>)
      %mul3A_133 = arith.constant 16 : i32
      %mul3A_134 = arith.muli %scan3A_81, %mul3A_133 : i32
      %add3A_135 = arith.constant 192 : i32
      %add3A_136 = arith.addi %add3A_135, %mul3A_134 : i32
      %add3A_137 = arith.constant 3 : i32
      %add3A_138 = arith.addi %add3A_136, %add3A_137 : i32
      %slice3A_139 = vector.extract_strided_slice %get3A_87 {offsets = [3], sizes = [1], strides = [1]} : vector<16xi32> to vector<1xi32>
      %squeeze3A_140 = vector.extract %slice3A_139[0] : i32 from vector<1xi32>
      %dma_start3A_141 = arith.constant 0 : i32
      %dma_start3A_142 = tpu.memref_slice %arg6[%add3A_138, %dma_start3A_141] : memref<384x32xf32, #tpu.memory_space<vmem>> -> memref<1x32xf32, #tpu.memory_space<vmem>>
      %dma_start3A_143 = arith.constant 0 : i32
      %dma_start3A_144 = tpu.memref_slice %arg2[%squeeze3A_140, %dma_start3A_143] : memref<1000000x32xf32, #tpu.memory_space<hbm>> -> memref<1x32xf32, #tpu.memory_space<hbm>>
      %dma_start3A_145 = arith.constant 0 : i32
      %dma_start3A_146 = tpu.memref_slice %arg6[%add3A_138, %dma_start3A_145] : memref<384x32xf32, #tpu.memory_space<vmem>> -> memref<1x32xf32, #tpu.memory_space<vmem>>
      %dma_start3A_147 = arith.constant 0 : i32
      %dma_start3A_148 = tpu.memref_slice %arg2[%squeeze3A_140, %dma_start3A_147] : memref<1000000x32xf32, #tpu.memory_space<hbm>> -> memref<1x32xf32, #tpu.memory_space<hbm>>
      tpu.enqueue_dma source(%dma_start3A_148 : memref<1x32xf32, #tpu.memory_space<hbm>>) target(%dma_start3A_146 : memref<1x32xf32, #tpu.memory_space<vmem>>) target_semaphore(%arg9 : memref<!tpu.dma_semaphore, #tpu.memory_space<semaphore_mem>>)
      %mul3A_149 = arith.constant 16 : i32
      %mul3A_150 = arith.muli %scan3A_81, %mul3A_149 : i32
      %add3A_151 = arith.constant 192 : i32
      %add3A_152 = arith.addi %add3A_151, %mul3A_150 : i32
      %add3A_153 = arith.constant 4 : i32
      %add3A_154 = arith.addi %add3A_152, %add3A_153 : i32
      %slice3A_155 = vector.extract_strided_slice %get3A_87 {offsets = [4], sizes = [1], strides = [1]} : vector<16xi32> to vector<1xi32>
      %squeeze3A_156 = vector.extract %slice3A_155[0] : i32 from vector<1xi32>
      %dma_start3A_157 = arith.constant 0 : i32
      %dma_start3A_158 = tpu.memref_slice %arg6[%add3A_154, %dma_start3A_157] : memref<384x32xf32, #tpu.memory_space<vmem>> -> memref<1x32xf32, #tpu.memory_space<vmem>>
      %dma_start3A_159 = arith.constant 0 : i32
      %dma_start3A_160 = tpu.memref_slice %arg2[%squeeze3A_156, %dma_start3A_159] : memref<1000000x32xf32, #tpu.memory_space<hbm>> -> memref<1x32xf32, #tpu.memory_space<hbm>>
      %dma_start3A_161 = arith.constant 0 : i32
      %dma_start3A_162 = tpu.memref_slice %arg6[%add3A_154, %dma_start3A_161] : memref<384x32xf32, #tpu.memory_space<vmem>> -> memref<1x32xf32, #tpu.memory_space<vmem>>
      %dma_start3A_163 = arith.constant 0 : i32
      %dma_start3A_164 = tpu.memref_slice %arg2[%squeeze3A_156, %dma_start3A_163] : memref<1000000x32xf32, #tpu.memory_space<hbm>> -> memref<1x32xf32, #tpu.memory_space<hbm>>
      tpu.enqueue_dma source(%dma_start3A_164 : memref<1x32xf32, #tpu.memory_space<hbm>>) target(%dma_start3A_162 : memref<1x32xf32, #tpu.memory_space<vmem>>) target_semaphore(%arg9 : memref<!tpu.dma_semaphore, #tpu.memory_space<semaphore_mem>>)
      %mul3A_165 = arith.constant 16 : i32
      %mul3A_166 = arith.muli %scan3A_81, %mul3A_165 : i32
      %add3A_167 = arith.constant 192 : i32
      %add3A_168 = arith.addi %add3A_167, %mul3A_166 : i32
      %add3A_169 = arith.constant 5 : i32
      %add3A_170 = arith.addi %add3A_168, %add3A_169 : i32
      %slice3A_171 = vector.extract_strided_slice %get3A_87 {offsets = [5], sizes = [1], strides = [1]} : vector<16xi32> to vector<1xi32>
      %squeeze3A_172 = vector.extract %slice3A_171[0] : i32 from vector<1xi32>
      %dma_start3A_173 = arith.constant 0 : i32
      %dma_start3A_174 = tpu.memref_slice %arg6[%add3A_170, %dma_start3A_173] : memref<384x32xf32, #tpu.memory_space<vmem>> -> memref<1x32xf32, #tpu.memory_space<vmem>>
      %dma_start3A_175 = arith.constant 0 : i32
      %dma_start3A_176 = tpu.memref_slice %arg2[%squeeze3A_172, %dma_start3A_175] : memref<1000000x32xf32, #tpu.memory_space<hbm>> -> memref<1x32xf32, #tpu.memory_space<hbm>>
      %dma_start3A_177 = arith.constant 0 : i32
      %dma_start3A_178 = tpu.memref_slice %arg6[%add3A_170, %dma_start3A_177] : memref<384x32xf32, #tpu.memory_space<vmem>> -> memref<1x32xf32, #tpu.memory_space<vmem>>
      %dma_start3A_179 = arith.constant 0 : i32
      %dma_start3A_180 = tpu.memref_slice %arg2[%squeeze3A_172, %dma_start3A_179] : memref<1000000x32xf32, #tpu.memory_space<hbm>> -> memref<1x32xf32, #tpu.memory_space<hbm>>
      tpu.enqueue_dma source(%dma_start3A_180 : memref<1x32xf32, #tpu.memory_space<hbm>>) target(%dma_start3A_178 : memref<1x32xf32, #tpu.memory_space<vmem>>) target_semaphore(%arg9 : memref<!tpu.dma_semaphore, #tpu.memory_space<semaphore_mem>>)
      %mul3A_181 = arith.constant 16 : i32
      %mul3A_182 = arith.muli %scan3A_81, %mul3A_181 : i32
      %add3A_183 = arith.constant 192 : i32
      %add3A_184 = arith.addi %add3A_183, %mul3A_182 : i32
      %add3A_185 = arith.constant 6 : i32
      %add3A_186 = arith.addi %add3A_184, %add3A_185 : i32
      %slice3A_187 = vector.extract_strided_slice %get3A_87 {offsets = [6], sizes = [1], strides = [1]} : vector<16xi32> to vector<1xi32>
      %squeeze3A_188 = vector.extract %slice3A_187[0] : i32 from vector<1xi32>
      %dma_start3A_189 = arith.constant 0 : i32
      %dma_start3A_190 = tpu.memref_slice %arg6[%add3A_186, %dma_start3A_189] : memref<384x32xf32, #tpu.memory_space<vmem>> -> memref<1x32xf32, #tpu.memory_space<vmem>>
      %dma_start3A_191 = arith.constant 0 : i32
      %dma_start3A_192 = tpu.memref_slice %arg2[%squeeze3A_188, %dma_start3A_191] : memref<1000000x32xf32, #tpu.memory_space<hbm>> -> memref<1x32xf32, #tpu.memory_space<hbm>>
      %dma_start3A_193 = arith.constant 0 : i32
      %dma_start3A_194 = tpu.memref_slice %arg6[%add3A_186, %dma_start3A_193] : memref<384x32xf32, #tpu.memory_space<vmem>> -> memref<1x32xf32, #tpu.memory_space<vmem>>
      %dma_start3A_195 = arith.constant 0 : i32
      %dma_start3A_196 = tpu.memref_slice %arg2[%squeeze3A_188, %dma_start3A_195] : memref<1000000x32xf32, #tpu.memory_space<hbm>> -> memref<1x32xf32, #tpu.memory_space<hbm>>
      tpu.enqueue_dma source(%dma_start3A_196 : memref<1x32xf32, #tpu.memory_space<hbm>>) target(%dma_start3A_194 : memref<1x32xf32, #tpu.memory_space<vmem>>) target_semaphore(%arg9 : memref<!tpu.dma_semaphore, #tpu.memory_space<semaphore_mem>>)
      %mul3A_197 = arith.constant 16 : i32
      %mul3A_198 = arith.muli %scan3A_81, %mul3A_197 : i32
      %add3A_199 = arith.constant 192 : i32
      %add3A_200 = arith.addi %add3A_199, %mul3A_198 : i32
      %add3A_201 = arith.constant 7 : i32
      %add3A_202 = arith.addi %add3A_200, %add3A_201 : i32
      %slice3A_203 = vector.extract_strided_slice %get3A_87 {offsets = [7], sizes = [1], strides = [1]} : vector<16xi32> to vector<1xi32>
      %squeeze3A_204 = vector.extract %slice3A_203[0] : i32 from vector<1xi32>
      %dma_start3A_205 = arith.constant 0 : i32
      %dma_start3A_206 = tpu.memref_slice %arg6[%add3A_202, %dma_start3A_205] : memref<384x32xf32, #tpu.memory_space<vmem>> -> memref<1x32xf32, #tpu.memory_space<vmem>>
      %dma_start3A_207 = arith.constant 0 : i32
      %dma_start3A_208 = tpu.memref_slice %arg2[%squeeze3A_204, %dma_start3A_207] : memref<1000000x32xf32, #tpu.memory_space<hbm>> -> memref<1x32xf32, #tpu.memory_space<hbm>>
      %dma_start3A_209 = arith.constant 0 : i32
      %dma_start3A_210 = tpu.memref_slice %arg6[%add3A_202, %dma_start3A_209] : memref<384x32xf32, #tpu.memory_space<vmem>> -> memref<1x32xf32, #tpu.memory_space<vmem>>
      %dma_start3A_211 = arith.constant 0 : i32
      %dma_start3A_212 = tpu.memref_slice %arg2[%squeeze3A_204, %dma_start3A_211] : memref<1000000x32xf32, #tpu.memory_space<hbm>> -> memref<1x32xf32, #tpu.memory_space<hbm>>
      tpu.enqueue_dma source(%dma_start3A_212 : memref<1x32xf32, #tpu.memory_space<hbm>>) target(%dma_start3A_210 : memref<1x32xf32, #tpu.memory_space<vmem>>) target_semaphore(%arg9 : memref<!tpu.dma_semaphore, #tpu.memory_space<semaphore_mem>>)
      %mul3A_213 = arith.constant 16 : i32
      %mul3A_214 = arith.muli %scan3A_81, %mul3A_213 : i32
      %add3A_215 = arith.constant 192 : i32
      %add3A_216 = arith.addi %add3A_215, %mul3A_214 : i32
      %add3A_217 = arith.constant 8 : i32
      %add3A_218 = arith.addi %add3A_216, %add3A_217 : i32
      %slice3A_219 = vector.extract_strided_slice %get3A_87 {offsets = [8], sizes = [1], strides = [1]} : vector<16xi32> to vector<1xi32>
      %squeeze3A_220 = vector.extract %slice3A_219[0] : i32 from vector<1xi32>
      %dma_start3A_221 = arith.constant 0 : i32
      %dma_start3A_222 = tpu.memref_slice %arg6[%add3A_218, %dma_start3A_221] : memref<384x32xf32, #tpu.memory_space<vmem>> -> memref<1x32xf32, #tpu.memory_space<vmem>>
      %dma_start3A_223 = arith.constant 0 : i32
      %dma_start3A_224 = tpu.memref_slice %arg2[%squeeze3A_220, %dma_start3A_223] : memref<1000000x32xf32, #tpu.memory_space<hbm>> -> memref<1x32xf32, #tpu.memory_space<hbm>>
      %dma_start3A_225 = arith.constant 0 : i32
      %dma_start3A_226 = tpu.memref_slice %arg6[%add3A_218, %dma_start3A_225] : memref<384x32xf32, #tpu.memory_space<vmem>> -> memref<1x32xf32, #tpu.memory_space<vmem>>
      %dma_start3A_227 = arith.constant 0 : i32
      %dma_start3A_228 = tpu.memref_slice %arg2[%squeeze3A_220, %dma_start3A_227] : memref<1000000x32xf32, #tpu.memory_space<hbm>> -> memref<1x32xf32, #tpu.memory_space<hbm>>
      tpu.enqueue_dma source(%dma_start3A_228 : memref<1x32xf32, #tpu.memory_space<hbm>>) target(%dma_start3A_226 : memref<1x32xf32, #tpu.memory_space<vmem>>) target_semaphore(%arg9 : memref<!tpu.dma_semaphore, #tpu.memory_space<semaphore_mem>>)
      %mul3A_229 = arith.constant 16 : i32
      %mul3A_230 = arith.muli %scan3A_81, %mul3A_229 : i32
      %add3A_231 = arith.constant 192 : i32
      %add3A_232 = arith.addi %add3A_231, %mul3A_230 : i32
      %add3A_233 = arith.constant 9 : i32
      %add3A_234 = arith.addi %add3A_232, %add3A_233 : i32
      %slice3A_235 = vector.extract_strided_slice %get3A_87 {offsets = [9], sizes = [1], strides = [1]} : vector<16xi32> to vector<1xi32>
      %squeeze3A_236 = vector.extract %slice3A_235[0] : i32 from vector<1xi32>
      %dma_start3A_237 = arith.constant 0 : i32
      %dma_start3A_238 = tpu.memref_slice %arg6[%add3A_234, %dma_start3A_237] : memref<384x32xf32, #tpu.memory_space<vmem>> -> memref<1x32xf32, #tpu.memory_space<vmem>>
      %dma_start3A_239 = arith.constant 0 : i32
      %dma_start3A_240 = tpu.memref_slice %arg2[%squeeze3A_236, %dma_start3A_239] : memref<1000000x32xf32, #tpu.memory_space<hbm>> -> memref<1x32xf32, #tpu.memory_space<hbm>>
      %dma_start3A_241 = arith.constant 0 : i32
      %dma_start3A_242 = tpu.memref_slice %arg6[%add3A_234, %dma_start3A_241] : memref<384x32xf32, #tpu.memory_space<vmem>> -> memref<1x32xf32, #tpu.memory_space<vmem>>
      %dma_start3A_243 = arith.constant 0 : i32
      %dma_start3A_244 = tpu.memref_slice %arg2[%squeeze3A_236, %dma_start3A_243] : memref<1000000x32xf32, #tpu.memory_space<hbm>> -> memref<1x32xf32, #tpu.memory_space<hbm>>
      tpu.enqueue_dma source(%dma_start3A_244 : memref<1x32xf32, #tpu.memory_space<hbm>>) target(%dma_start3A_242 : memref<1x32xf32, #tpu.memory_space<vmem>>) target_semaphore(%arg9 : memref<!tpu.dma_semaphore, #tpu.memory_space<semaphore_mem>>)
      %mul3A_245 = arith.constant 16 : i32
      %mul3A_246 = arith.muli %scan3A_81, %mul3A_245 : i32
      %add3A_247 = arith.constant 192 : i32
      %add3A_248 = arith.addi %add3A_247, %mul3A_246 : i32
      %add3A_249 = arith.constant 10 : i32
      %add3A_250 = arith.addi %add3A_248, %add3A_249 : i32
      %slice3A_251 = vector.extract_strided_slice %get3A_87 {offsets = [10], sizes = [1], strides = [1]} : vector<16xi32> to vector<1xi32>
      %squeeze3A_252 = vector.extract %slice3A_251[0] : i32 from vector<1xi32>
      %dma_start3A_253 = arith.constant 0 : i32
      %dma_start3A_254 = tpu.memref_slice %arg6[%add3A_250, %dma_start3A_253] : memref<384x32xf32, #tpu.memory_space<vmem>> -> memref<1x32xf32, #tpu.memory_space<vmem>>
      %dma_start3A_255 = arith.constant 0 : i32
      %dma_start3A_256 = tpu.memref_slice %arg2[%squeeze3A_252, %dma_start3A_255] : memref<1000000x32xf32, #tpu.memory_space<hbm>> -> memref<1x32xf32, #tpu.memory_space<hbm>>
      %dma_start3A_257 = arith.constant 0 : i32
      %dma_start3A_258 = tpu.memref_slice %arg6[%add3A_250, %dma_start3A_257] : memref<384x32xf32, #tpu.memory_space<vmem>> -> memref<1x32xf32, #tpu.memory_space<vmem>>
      %dma_start3A_259 = arith.constant 0 : i32
      %dma_start3A_260 = tpu.memref_slice %arg2[%squeeze3A_252, %dma_start3A_259] : memref<1000000x32xf32, #tpu.memory_space<hbm>> -> memref<1x32xf32, #tpu.memory_space<hbm>>
      tpu.enqueue_dma source(%dma_start3A_260 : memref<1x32xf32, #tpu.memory_space<hbm>>) target(%dma_start3A_258 : memref<1x32xf32, #tpu.memory_space<vmem>>) target_semaphore(%arg9 : memref<!tpu.dma_semaphore, #tpu.memory_space<semaphore_mem>>)
      %mul3A_261 = arith.constant 16 : i32
      %mul3A_262 = arith.muli %scan3A_81, %mul3A_261 : i32
      %add3A_263 = arith.constant 192 : i32
      %add3A_264 = arith.addi %add3A_263, %mul3A_262 : i32
      %add3A_265 = arith.constant 11 : i32
      %add3A_266 = arith.addi %add3A_264, %add3A_265 : i32
      %slice3A_267 = vector.extract_strided_slice %get3A_87 {offsets = [11], sizes = [1], strides = [1]} : vector<16xi32> to vector<1xi32>
      %squeeze3A_268 = vector.extract %slice3A_267[0] : i32 from vector<1xi32>
      %dma_start3A_269 = arith.constant 0 : i32
      %dma_start3A_270 = tpu.memref_slice %arg6[%add3A_266, %dma_start3A_269] : memref<384x32xf32, #tpu.memory_space<vmem>> -> memref<1x32xf32, #tpu.memory_space<vmem>>
      %dma_start3A_271 = arith.constant 0 : i32
      %dma_start3A_272 = tpu.memref_slice %arg2[%squeeze3A_268, %dma_start3A_271] : memref<1000000x32xf32, #tpu.memory_space<hbm>> -> memref<1x32xf32, #tpu.memory_space<hbm>>
      %dma_start3A_273 = arith.constant 0 : i32
      %dma_start3A_274 = tpu.memref_slice %arg6[%add3A_266, %dma_start3A_273] : memref<384x32xf32, #tpu.memory_space<vmem>> -> memref<1x32xf32, #tpu.memory_space<vmem>>
      %dma_start3A_275 = arith.constant 0 : i32
      %dma_start3A_276 = tpu.memref_slice %arg2[%squeeze3A_268, %dma_start3A_275] : memref<1000000x32xf32, #tpu.memory_space<hbm>> -> memref<1x32xf32, #tpu.memory_space<hbm>>
      tpu.enqueue_dma source(%dma_start3A_276 : memref<1x32xf32, #tpu.memory_space<hbm>>) target(%dma_start3A_274 : memref<1x32xf32, #tpu.memory_space<vmem>>) target_semaphore(%arg9 : memref<!tpu.dma_semaphore, #tpu.memory_space<semaphore_mem>>)
      %mul3A_277 = arith.constant 16 : i32
      %mul3A_278 = arith.muli %scan3A_81, %mul3A_277 : i32
      %add3A_279 = arith.constant 192 : i32
      %add3A_280 = arith.addi %add3A_279, %mul3A_278 : i32
      %add3A_281 = arith.constant 12 : i32
      %add3A_282 = arith.addi %add3A_280, %add3A_281 : i32
      %slice3A_283 = vector.extract_strided_slice %get3A_87 {offsets = [12], sizes = [1], strides = [1]} : vector<16xi32> to vector<1xi32>
      %squeeze3A_284 = vector.extract %slice3A_283[0] : i32 from vector<1xi32>
      %dma_start3A_285 = arith.constant 0 : i32
      %dma_start3A_286 = tpu.memref_slice %arg6[%add3A_282, %dma_start3A_285] : memref<384x32xf32, #tpu.memory_space<vmem>> -> memref<1x32xf32, #tpu.memory_space<vmem>>
      %dma_start3A_287 = arith.constant 0 : i32
      %dma_start3A_288 = tpu.memref_slice %arg2[%squeeze3A_284, %dma_start3A_287] : memref<1000000x32xf32, #tpu.memory_space<hbm>> -> memref<1x32xf32, #tpu.memory_space<hbm>>
      %dma_start3A_289 = arith.constant 0 : i32
      %dma_start3A_290 = tpu.memref_slice %arg6[%add3A_282, %dma_start3A_289] : memref<384x32xf32, #tpu.memory_space<vmem>> -> memref<1x32xf32, #tpu.memory_space<vmem>>
      %dma_start3A_291 = arith.constant 0 : i32
      %dma_start3A_292 = tpu.memref_slice %arg2[%squeeze3A_284, %dma_start3A_291] : memref<1000000x32xf32, #tpu.memory_space<hbm>> -> memref<1x32xf32, #tpu.memory_space<hbm>>
      tpu.enqueue_dma source(%dma_start3A_292 : memref<1x32xf32, #tpu.memory_space<hbm>>) target(%dma_start3A_290 : memref<1x32xf32, #tpu.memory_space<vmem>>) target_semaphore(%arg9 : memref<!tpu.dma_semaphore, #tpu.memory_space<semaphore_mem>>)
      %mul3A_293 = arith.constant 16 : i32
      %mul3A_294 = arith.muli %scan3A_81, %mul3A_293 : i32
      %add3A_295 = arith.constant 192 : i32
      %add3A_296 = arith.addi %add3A_295, %mul3A_294 : i32
      %add3A_297 = arith.constant 13 : i32
      %add3A_298 = arith.addi %add3A_296, %add3A_297 : i32
      %slice3A_299 = vector.extract_strided_slice %get3A_87 {offsets = [13], sizes = [1], strides = [1]} : vector<16xi32> to vector<1xi32>
      %squeeze3A_300 = vector.extract %slice3A_299[0] : i32 from vector<1xi32>
      %dma_start3A_301 = arith.constant 0 : i32
      %dma_start3A_302 = tpu.memref_slice %arg6[%add3A_298, %dma_start3A_301] : memref<384x32xf32, #tpu.memory_space<vmem>> -> memref<1x32xf32, #tpu.memory_space<vmem>>
      %dma_start3A_303 = arith.constant 0 : i32
      %dma_start3A_304 = tpu.memref_slice %arg2[%squeeze3A_300, %dma_start3A_303] : memref<1000000x32xf32, #tpu.memory_space<hbm>> -> memref<1x32xf32, #tpu.memory_space<hbm>>
      %dma_start3A_305 = arith.constant 0 : i32
      %dma_start3A_306 = tpu.memref_slice %arg6[%add3A_298, %dma_start3A_305] : memref<384x32xf32, #tpu.memory_space<vmem>> -> memref<1x32xf32, #tpu.memory_space<vmem>>
      %dma_start3A_307 = arith.constant 0 : i32
      %dma_start3A_308 = tpu.memref_slice %arg2[%squeeze3A_300, %dma_start3A_307] : memref<1000000x32xf32, #tpu.memory_space<hbm>> -> memref<1x32xf32, #tpu.memory_space<hbm>>
      tpu.enqueue_dma source(%dma_start3A_308 : memref<1x32xf32, #tpu.memory_space<hbm>>) target(%dma_start3A_306 : memref<1x32xf32, #tpu.memory_space<vmem>>) target_semaphore(%arg9 : memref<!tpu.dma_semaphore, #tpu.memory_space<semaphore_mem>>)
      %mul3A_309 = arith.constant 16 : i32
      %mul3A_310 = arith.muli %scan3A_81, %mul3A_309 : i32
      %add3A_311 = arith.constant 192 : i32
      %add3A_312 = arith.addi %add3A_311, %mul3A_310 : i32
      %add3A_313 = arith.constant 14 : i32
      %add3A_314 = arith.addi %add3A_312, %add3A_313 : i32
      %slice3A_315 = vector.extract_strided_slice %get3A_87 {offsets = [14], sizes = [1], strides = [1]} : vector<16xi32> to vector<1xi32>
      %squeeze3A_316 = vector.extract %slice3A_315[0] : i32 from vector<1xi32>
      %dma_start3A_317 = arith.constant 0 : i32
      %dma_start3A_318 = tpu.memref_slice %arg6[%add3A_314, %dma_start3A_317] : memref<384x32xf32, #tpu.memory_space<vmem>> -> memref<1x32xf32, #tpu.memory_space<vmem>>
      %dma_start3A_319 = arith.constant 0 : i32
      %dma_start3A_320 = tpu.memref_slice %arg2[%squeeze3A_316, %dma_start3A_319] : memref<1000000x32xf32, #tpu.memory_space<hbm>> -> memref<1x32xf32, #tpu.memory_space<hbm>>
      %dma_start3A_321 = arith.constant 0 : i32
      %dma_start3A_322 = tpu.memref_slice %arg6[%add3A_314, %dma_start3A_321] : memref<384x32xf32, #tpu.memory_space<vmem>> -> memref<1x32xf32, #tpu.memory_space<vmem>>
      %dma_start3A_323 = arith.constant 0 : i32
      %dma_start3A_324 = tpu.memref_slice %arg2[%squeeze3A_316, %dma_start3A_323] : memref<1000000x32xf32, #tpu.memory_space<hbm>> -> memref<1x32xf32, #tpu.memory_space<hbm>>
      tpu.enqueue_dma source(%dma_start3A_324 : memref<1x32xf32, #tpu.memory_space<hbm>>) target(%dma_start3A_322 : memref<1x32xf32, #tpu.memory_space<vmem>>) target_semaphore(%arg9 : memref<!tpu.dma_semaphore, #tpu.memory_space<semaphore_mem>>)
      %mul3A_325 = arith.constant 16 : i32
      %mul3A_326 = arith.muli %scan3A_81, %mul3A_325 : i32
      %add3A_327 = arith.constant 192 : i32
      %add3A_328 = arith.addi %add3A_327, %mul3A_326 : i32
      %add3A_329 = arith.constant 15 : i32
      %add3A_330 = arith.addi %add3A_328, %add3A_329 : i32
      %slice3A_331 = vector.extract_strided_slice %get3A_87 {offsets = [15], sizes = [1], strides = [1]} : vector<16xi32> to vector<1xi32>
      %squeeze3A_332 = vector.extract %slice3A_331[0] : i32 from vector<1xi32>
      %dma_start3A_333 = arith.constant 0 : i32
      %dma_start3A_334 = tpu.memref_slice %arg6[%add3A_330, %dma_start3A_333] : memref<384x32xf32, #tpu.memory_space<vmem>> -> memref<1x32xf32, #tpu.memory_space<vmem>>
      %dma_start3A_335 = arith.constant 0 : i32
      %dma_start3A_336 = tpu.memref_slice %arg2[%squeeze3A_332, %dma_start3A_335] : memref<1000000x32xf32, #tpu.memory_space<hbm>> -> memref<1x32xf32, #tpu.memory_space<hbm>>
      %dma_start3A_337 = arith.constant 0 : i32
      %dma_start3A_338 = tpu.memref_slice %arg6[%add3A_330, %dma_start3A_337] : memref<384x32xf32, #tpu.memory_space<vmem>> -> memref<1x32xf32, #tpu.memory_space<vmem>>
      %dma_start3A_339 = arith.constant 0 : i32
      %dma_start3A_340 = tpu.memref_slice %arg2[%squeeze3A_332, %dma_start3A_339] : memref<1000000x32xf32, #tpu.memory_space<hbm>> -> memref<1x32xf32, #tpu.memory_space<hbm>>
      tpu.enqueue_dma source(%dma_start3A_340 : memref<1x32xf32, #tpu.memory_space<hbm>>) target(%dma_start3A_338 : memref<1x32xf32, #tpu.memory_space<vmem>>) target_semaphore(%arg9 : memref<!tpu.dma_semaphore, #tpu.memory_space<semaphore_mem>>)
    }
    %scan3A_19 = arith.constant 6 : i32
    %scan3A_20 = arith.constant 0 : i32
    %scan3A_21 = arith.constant 0 : i32
    %scan3A_22 = arith.constant 6 : i32
    %scan3A_23 = arith.addi %scan3A_21, %scan3A_22 : i32
    %scan3A_24 = arith.constant 1 : i32
    scf.for %scan3A_81 = %scan3A_21 to %scan3A_23 step %scan3A_24  : i32 {
      %mul3A_82 = arith.constant 16 : i32
      %mul3A_83 = arith.muli %scan3A_81, %mul3A_82 : i32
      %add3A_84 = arith.constant 288 : i32
      %add3A_85 = arith.addi %add3A_84, %mul3A_83 : i32
      %get3A = arith.index_cast %add3A_85 : i32 to index
      %get3A_86 = tpu.vector_load %arg5[%get3A] {strides = array<i32>} : memref<384xi32, #tpu.memory_space<vmem>>, vector<16xi32>,
      %get3A_87 = vector.shape_cast %get3A_86 : vector<16xi32> to vector<16xi32>
      %mul3A_88 = arith.constant 16 : i32
      %mul3A_89 = arith.muli %scan3A_81, %mul3A_88 : i32
      %add3A_90 = arith.constant 288 : i32
      %add3A_91 = arith.addi %add3A_90, %mul3A_89 : i32
      %add3A_92 = arith.constant 0 : i32
      %add3A_93 = arith.addi %add3A_91, %add3A_92 : i32
      %slice3A = vector.extract_strided_slice %get3A_87 {offsets = [0], sizes = [1], strides = [1]} : vector<16xi32> to vector<1xi32>
      %squeeze3A = vector.extract %slice3A[0] : i32 from vector<1xi32>
      %dma_start3A = arith.constant 0 : i32
      %dma_start3A_94 = tpu.memref_slice %arg6[%add3A_93, %dma_start3A] : memref<384x32xf32, #tpu.memory_space<vmem>> -> memref<1x32xf32, #tpu.memory_space<vmem>>
      %dma_start3A_95 = arith.constant 0 : i32
      %dma_start3A_96 = tpu.memref_slice %arg2[%squeeze3A, %dma_start3A_95] : memref<1000000x32xf32, #tpu.memory_space<hbm>> -> memref<1x32xf32, #tpu.memory_space<hbm>>
      %dma_start3A_97 = arith.constant 0 : i32
      %dma_start3A_98 = tpu.memref_slice %arg6[%add3A_93, %dma_start3A_97] : memref<384x32xf32, #tpu.memory_space<vmem>> -> memref<1x32xf32, #tpu.memory_space<vmem>>
      %dma_start3A_99 = arith.constant 0 : i32
      %dma_start3A_100 = tpu.memref_slice %arg2[%squeeze3A, %dma_start3A_99] : memref<1000000x32xf32, #tpu.memory_space<hbm>> -> memref<1x32xf32, #tpu.memory_space<hbm>>
      tpu.enqueue_dma source(%dma_start3A_100 : memref<1x32xf32, #tpu.memory_space<hbm>>) target(%dma_start3A_98 : memref<1x32xf32, #tpu.memory_space<vmem>>) target_semaphore(%arg10 : memref<!tpu.dma_semaphore, #tpu.memory_space<semaphore_mem>>)
      %mul3A_101 = arith.constant 16 : i32
      %mul3A_102 = arith.muli %scan3A_81, %mul3A_101 : i32
      %add3A_103 = arith.constant 288 : i32
      %add3A_104 = arith.addi %add3A_103, %mul3A_102 : i32
      %add3A_105 = arith.constant 1 : i32
      %add3A_106 = arith.addi %add3A_104, %add3A_105 : i32
      %slice3A_107 = vector.extract_strided_slice %get3A_87 {offsets = [1], sizes = [1], strides = [1]} : vector<16xi32> to vector<1xi32>
      %squeeze3A_108 = vector.extract %slice3A_107[0] : i32 from vector<1xi32>
      %dma_start3A_109 = arith.constant 0 : i32
      %dma_start3A_110 = tpu.memref_slice %arg6[%add3A_106, %dma_start3A_109] : memref<384x32xf32, #tpu.memory_space<vmem>> -> memref<1x32xf32, #tpu.memory_space<vmem>>
      %dma_start3A_111 = arith.constant 0 : i32
      %dma_start3A_112 = tpu.memref_slice %arg2[%squeeze3A_108, %dma_start3A_111] : memref<1000000x32xf32, #tpu.memory_space<hbm>> -> memref<1x32xf32, #tpu.memory_space<hbm>>
      %dma_start3A_113 = arith.constant 0 : i32
      %dma_start3A_114 = tpu.memref_slice %arg6[%add3A_106, %dma_start3A_113] : memref<384x32xf32, #tpu.memory_space<vmem>> -> memref<1x32xf32, #tpu.memory_space<vmem>>
      %dma_start3A_115 = arith.constant 0 : i32
      %dma_start3A_116 = tpu.memref_slice %arg2[%squeeze3A_108, %dma_start3A_115] : memref<1000000x32xf32, #tpu.memory_space<hbm>> -> memref<1x32xf32, #tpu.memory_space<hbm>>
      tpu.enqueue_dma source(%dma_start3A_116 : memref<1x32xf32, #tpu.memory_space<hbm>>) target(%dma_start3A_114 : memref<1x32xf32, #tpu.memory_space<vmem>>) target_semaphore(%arg10 : memref<!tpu.dma_semaphore, #tpu.memory_space<semaphore_mem>>)
      %mul3A_117 = arith.constant 16 : i32
      %mul3A_118 = arith.muli %scan3A_81, %mul3A_117 : i32
      %add3A_119 = arith.constant 288 : i32
      %add3A_120 = arith.addi %add3A_119, %mul3A_118 : i32
      %add3A_121 = arith.constant 2 : i32
      %add3A_122 = arith.addi %add3A_120, %add3A_121 : i32
      %slice3A_123 = vector.extract_strided_slice %get3A_87 {offsets = [2], sizes = [1], strides = [1]} : vector<16xi32> to vector<1xi32>
      %squeeze3A_124 = vector.extract %slice3A_123[0] : i32 from vector<1xi32>
      %dma_start3A_125 = arith.constant 0 : i32
      %dma_start3A_126 = tpu.memref_slice %arg6[%add3A_122, %dma_start3A_125] : memref<384x32xf32, #tpu.memory_space<vmem>> -> memref<1x32xf32, #tpu.memory_space<vmem>>
      %dma_start3A_127 = arith.constant 0 : i32
      %dma_start3A_128 = tpu.memref_slice %arg2[%squeeze3A_124, %dma_start3A_127] : memref<1000000x32xf32, #tpu.memory_space<hbm>> -> memref<1x32xf32, #tpu.memory_space<hbm>>
      %dma_start3A_129 = arith.constant 0 : i32
      %dma_start3A_130 = tpu.memref_slice %arg6[%add3A_122, %dma_start3A_129] : memref<384x32xf32, #tpu.memory_space<vmem>> -> memref<1x32xf32, #tpu.memory_space<vmem>>
      %dma_start3A_131 = arith.constant 0 : i32
      %dma_start3A_132 = tpu.memref_slice %arg2[%squeeze3A_124, %dma_start3A_131] : memref<1000000x32xf32, #tpu.memory_space<hbm>> -> memref<1x32xf32, #tpu.memory_space<hbm>>
      tpu.enqueue_dma source(%dma_start3A_132 : memref<1x32xf32, #tpu.memory_space<hbm>>) target(%dma_start3A_130 : memref<1x32xf32, #tpu.memory_space<vmem>>) target_semaphore(%arg10 : memref<!tpu.dma_semaphore, #tpu.memory_space<semaphore_mem>>)
      %mul3A_133 = arith.constant 16 : i32
      %mul3A_134 = arith.muli %scan3A_81, %mul3A_133 : i32
      %add3A_135 = arith.constant 288 : i32
      %add3A_136 = arith.addi %add3A_135, %mul3A_134 : i32
      %add3A_137 = arith.constant 3 : i32
      %add3A_138 = arith.addi %add3A_136, %add3A_137 : i32
      %slice3A_139 = vector.extract_strided_slice %get3A_87 {offsets = [3], sizes = [1], strides = [1]} : vector<16xi32> to vector<1xi32>
      %squeeze3A_140 = vector.extract %slice3A_139[0] : i32 from vector<1xi32>
      %dma_start3A_141 = arith.constant 0 : i32
      %dma_start3A_142 = tpu.memref_slice %arg6[%add3A_138, %dma_start3A_141] : memref<384x32xf32, #tpu.memory_space<vmem>> -> memref<1x32xf32, #tpu.memory_space<vmem>>
      %dma_start3A_143 = arith.constant 0 : i32
      %dma_start3A_144 = tpu.memref_slice %arg2[%squeeze3A_140, %dma_start3A_143] : memref<1000000x32xf32, #tpu.memory_space<hbm>> -> memref<1x32xf32, #tpu.memory_space<hbm>>
      %dma_start3A_145 = arith.constant 0 : i32
      %dma_start3A_146 = tpu.memref_slice %arg6[%add3A_138, %dma_start3A_145] : memref<384x32xf32, #tpu.memory_space<vmem>> -> memref<1x32xf32, #tpu.memory_space<vmem>>
      %dma_start3A_147 = arith.constant 0 : i32
      %dma_start3A_148 = tpu.memref_slice %arg2[%squeeze3A_140, %dma_start3A_147] : memref<1000000x32xf32, #tpu.memory_space<hbm>> -> memref<1x32xf32, #tpu.memory_space<hbm>>
      tpu.enqueue_dma source(%dma_start3A_148 : memref<1x32xf32, #tpu.memory_space<hbm>>) target(%dma_start3A_146 : memref<1x32xf32, #tpu.memory_space<vmem>>) target_semaphore(%arg10 : memref<!tpu.dma_semaphore, #tpu.memory_space<semaphore_mem>>)
      %mul3A_149 = arith.constant 16 : i32
      %mul3A_150 = arith.muli %scan3A_81, %mul3A_149 : i32
      %add3A_151 = arith.constant 288 : i32
      %add3A_152 = arith.addi %add3A_151, %mul3A_150 : i32
      %add3A_153 = arith.constant 4 : i32
      %add3A_154 = arith.addi %add3A_152, %add3A_153 : i32
      %slice3A_155 = vector.extract_strided_slice %get3A_87 {offsets = [4], sizes = [1], strides = [1]} : vector<16xi32> to vector<1xi32>
      %squeeze3A_156 = vector.extract %slice3A_155[0] : i32 from vector<1xi32>
      %dma_start3A_157 = arith.constant 0 : i32
      %dma_start3A_158 = tpu.memref_slice %arg6[%add3A_154, %dma_start3A_157] : memref<384x32xf32, #tpu.memory_space<vmem>> -> memref<1x32xf32, #tpu.memory_space<vmem>>
      %dma_start3A_159 = arith.constant 0 : i32
      %dma_start3A_160 = tpu.memref_slice %arg2[%squeeze3A_156, %dma_start3A_159] : memref<1000000x32xf32, #tpu.memory_space<hbm>> -> memref<1x32xf32, #tpu.memory_space<hbm>>
      %dma_start3A_161 = arith.constant 0 : i32
      %dma_start3A_162 = tpu.memref_slice %arg6[%add3A_154, %dma_start3A_161] : memref<384x32xf32, #tpu.memory_space<vmem>> -> memref<1x32xf32, #tpu.memory_space<vmem>>
      %dma_start3A_163 = arith.constant 0 : i32
      %dma_start3A_164 = tpu.memref_slice %arg2[%squeeze3A_156, %dma_start3A_163] : memref<1000000x32xf32, #tpu.memory_space<hbm>> -> memref<1x32xf32, #tpu.memory_space<hbm>>
      tpu.enqueue_dma source(%dma_start3A_164 : memref<1x32xf32, #tpu.memory_space<hbm>>) target(%dma_start3A_162 : memref<1x32xf32, #tpu.memory_space<vmem>>) target_semaphore(%arg10 : memref<!tpu.dma_semaphore, #tpu.memory_space<semaphore_mem>>)
      %mul3A_165 = arith.constant 16 : i32
      %mul3A_166 = arith.muli %scan3A_81, %mul3A_165 : i32
      %add3A_167 = arith.constant 288 : i32
      %add3A_168 = arith.addi %add3A_167, %mul3A_166 : i32
      %add3A_169 = arith.constant 5 : i32
      %add3A_170 = arith.addi %add3A_168, %add3A_169 : i32
      %slice3A_171 = vector.extract_strided_slice %get3A_87 {offsets = [5], sizes = [1], strides = [1]} : vector<16xi32> to vector<1xi32>
      %squeeze3A_172 = vector.extract %slice3A_171[0] : i32 from vector<1xi32>
      %dma_start3A_173 = arith.constant 0 : i32
      %dma_start3A_174 = tpu.memref_slice %arg6[%add3A_170, %dma_start3A_173] : memref<384x32xf32, #tpu.memory_space<vmem>> -> memref<1x32xf32, #tpu.memory_space<vmem>>
      %dma_start3A_175 = arith.constant 0 : i32
      %dma_start3A_176 = tpu.memref_slice %arg2[%squeeze3A_172, %dma_start3A_175] : memref<1000000x32xf32, #tpu.memory_space<hbm>> -> memref<1x32xf32, #tpu.memory_space<hbm>>
      %dma_start3A_177 = arith.constant 0 : i32
      %dma_start3A_178 = tpu.memref_slice %arg6[%add3A_170, %dma_start3A_177] : memref<384x32xf32, #tpu.memory_space<vmem>> -> memref<1x32xf32, #tpu.memory_space<vmem>>
      %dma_start3A_179 = arith.constant 0 : i32
      %dma_start3A_180 = tpu.memref_slice %arg2[%squeeze3A_172, %dma_start3A_179] : memref<1000000x32xf32, #tpu.memory_space<hbm>> -> memref<1x32xf32, #tpu.memory_space<hbm>>
      tpu.enqueue_dma source(%dma_start3A_180 : memref<1x32xf32, #tpu.memory_space<hbm>>) target(%dma_start3A_178 : memref<1x32xf32, #tpu.memory_space<vmem>>) target_semaphore(%arg10 : memref<!tpu.dma_semaphore, #tpu.memory_space<semaphore_mem>>)
      %mul3A_181 = arith.constant 16 : i32
      %mul3A_182 = arith.muli %scan3A_81, %mul3A_181 : i32
      %add3A_183 = arith.constant 288 : i32
      %add3A_184 = arith.addi %add3A_183, %mul3A_182 : i32
      %add3A_185 = arith.constant 6 : i32
      %add3A_186 = arith.addi %add3A_184, %add3A_185 : i32
      %slice3A_187 = vector.extract_strided_slice %get3A_87 {offsets = [6], sizes = [1], strides = [1]} : vector<16xi32> to vector<1xi32>
      %squeeze3A_188 = vector.extract %slice3A_187[0] : i32 from vector<1xi32>
      %dma_start3A_189 = arith.constant 0 : i32
      %dma_start3A_190 = tpu.memref_slice %arg6[%add3A_186, %dma_start3A_189] : memref<384x32xf32, #tpu.memory_space<vmem>> -> memref<1x32xf32, #tpu.memory_space<vmem>>
      %dma_start3A_191 = arith.constant 0 : i32
      %dma_start3A_192 = tpu.memref_slice %arg2[%squeeze3A_188, %dma_start3A_191] : memref<1000000x32xf32, #tpu.memory_space<hbm>> -> memref<1x32xf32, #tpu.memory_space<hbm>>
      %dma_start3A_193 = arith.constant 0 : i32
      %dma_start3A_194 = tpu.memref_slice %arg6[%add3A_186, %dma_start3A_193] : memref<384x32xf32, #tpu.memory_space<vmem>> -> memref<1x32xf32, #tpu.memory_space<vmem>>
      %dma_start3A_195 = arith.constant 0 : i32
      %dma_start3A_196 = tpu.memref_slice %arg2[%squeeze3A_188, %dma_start3A_195] : memref<1000000x32xf32, #tpu.memory_space<hbm>> -> memref<1x32xf32, #tpu.memory_space<hbm>>
      tpu.enqueue_dma source(%dma_start3A_196 : memref<1x32xf32, #tpu.memory_space<hbm>>) target(%dma_start3A_194 : memref<1x32xf32, #tpu.memory_space<vmem>>) target_semaphore(%arg10 : memref<!tpu.dma_semaphore, #tpu.memory_space<semaphore_mem>>)
      %mul3A_197 = arith.constant 16 : i32
      %mul3A_198 = arith.muli %scan3A_81, %mul3A_197 : i32
      %add3A_199 = arith.constant 288 : i32
      %add3A_200 = arith.addi %add3A_199, %mul3A_198 : i32
      %add3A_201 = arith.constant 7 : i32
      %add3A_202 = arith.addi %add3A_200, %add3A_201 : i32
      %slice3A_203 = vector.extract_strided_slice %get3A_87 {offsets = [7], sizes = [1], strides = [1]} : vector<16xi32> to vector<1xi32>
      %squeeze3A_204 = vector.extract %slice3A_203[0] : i32 from vector<1xi32>
      %dma_start3A_205 = arith.constant 0 : i32
      %dma_start3A_206 = tpu.memref_slice %arg6[%add3A_202, %dma_start3A_205] : memref<384x32xf32, #tpu.memory_space<vmem>> -> memref<1x32xf32, #tpu.memory_space<vmem>>
      %dma_start3A_207 = arith.constant 0 : i32
      %dma_start3A_208 = tpu.memref_slice %arg2[%squeeze3A_204, %dma_start3A_207] : memref<1000000x32xf32, #tpu.memory_space<hbm>> -> memref<1x32xf32, #tpu.memory_space<hbm>>
      %dma_start3A_209 = arith.constant 0 : i32
      %dma_start3A_210 = tpu.memref_slice %arg6[%add3A_202, %dma_start3A_209] : memref<384x32xf32, #tpu.memory_space<vmem>> -> memref<1x32xf32, #tpu.memory_space<vmem>>
      %dma_start3A_211 = arith.constant 0 : i32
      %dma_start3A_212 = tpu.memref_slice %arg2[%squeeze3A_204, %dma_start3A_211] : memref<1000000x32xf32, #tpu.memory_space<hbm>> -> memref<1x32xf32, #tpu.memory_space<hbm>>
      tpu.enqueue_dma source(%dma_start3A_212 : memref<1x32xf32, #tpu.memory_space<hbm>>) target(%dma_start3A_210 : memref<1x32xf32, #tpu.memory_space<vmem>>) target_semaphore(%arg10 : memref<!tpu.dma_semaphore, #tpu.memory_space<semaphore_mem>>)
      %mul3A_213 = arith.constant 16 : i32
      %mul3A_214 = arith.muli %scan3A_81, %mul3A_213 : i32
      %add3A_215 = arith.constant 288 : i32
      %add3A_216 = arith.addi %add3A_215, %mul3A_214 : i32
      %add3A_217 = arith.constant 8 : i32
      %add3A_218 = arith.addi %add3A_216, %add3A_217 : i32
      %slice3A_219 = vector.extract_strided_slice %get3A_87 {offsets = [8], sizes = [1], strides = [1]} : vector<16xi32> to vector<1xi32>
      %squeeze3A_220 = vector.extract %slice3A_219[0] : i32 from vector<1xi32>
      %dma_start3A_221 = arith.constant 0 : i32
      %dma_start3A_222 = tpu.memref_slice %arg6[%add3A_218, %dma_start3A_221] : memref<384x32xf32, #tpu.memory_space<vmem>> -> memref<1x32xf32, #tpu.memory_space<vmem>>
      %dma_start3A_223 = arith.constant 0 : i32
      %dma_start3A_224 = tpu.memref_slice %arg2[%squeeze3A_220, %dma_start3A_223] : memref<1000000x32xf32, #tpu.memory_space<hbm>> -> memref<1x32xf32, #tpu.memory_space<hbm>>
      %dma_start3A_225 = arith.constant 0 : i32
      %dma_start3A_226 = tpu.memref_slice %arg6[%add3A_218, %dma_start3A_225] : memref<384x32xf32, #tpu.memory_space<vmem>> -> memref<1x32xf32, #tpu.memory_space<vmem>>
      %dma_start3A_227 = arith.constant 0 : i32
      %dma_start3A_228 = tpu.memref_slice %arg2[%squeeze3A_220, %dma_start3A_227] : memref<1000000x32xf32, #tpu.memory_space<hbm>> -> memref<1x32xf32, #tpu.memory_space<hbm>>
      tpu.enqueue_dma source(%dma_start3A_228 : memref<1x32xf32, #tpu.memory_space<hbm>>) target(%dma_start3A_226 : memref<1x32xf32, #tpu.memory_space<vmem>>) target_semaphore(%arg10 : memref<!tpu.dma_semaphore, #tpu.memory_space<semaphore_mem>>)
      %mul3A_229 = arith.constant 16 : i32
      %mul3A_230 = arith.muli %scan3A_81, %mul3A_229 : i32
      %add3A_231 = arith.constant 288 : i32
      %add3A_232 = arith.addi %add3A_231, %mul3A_230 : i32
      %add3A_233 = arith.constant 9 : i32
      %add3A_234 = arith.addi %add3A_232, %add3A_233 : i32
      %slice3A_235 = vector.extract_strided_slice %get3A_87 {offsets = [9], sizes = [1], strides = [1]} : vector<16xi32> to vector<1xi32>
      %squeeze3A_236 = vector.extract %slice3A_235[0] : i32 from vector<1xi32>
      %dma_start3A_237 = arith.constant 0 : i32
      %dma_start3A_238 = tpu.memref_slice %arg6[%add3A_234, %dma_start3A_237] : memref<384x32xf32, #tpu.memory_space<vmem>> -> memref<1x32xf32, #tpu.memory_space<vmem>>
      %dma_start3A_239 = arith.constant 0 : i32
      %dma_start3A_240 = tpu.memref_slice %arg2[%squeeze3A_236, %dma_start3A_239] : memref<1000000x32xf32, #tpu.memory_space<hbm>> -> memref<1x32xf32, #tpu.memory_space<hbm>>
      %dma_start3A_241 = arith.constant 0 : i32
      %dma_start3A_242 = tpu.memref_slice %arg6[%add3A_234, %dma_start3A_241] : memref<384x32xf32, #tpu.memory_space<vmem>> -> memref<1x32xf32, #tpu.memory_space<vmem>>
      %dma_start3A_243 = arith.constant 0 : i32
      %dma_start3A_244 = tpu.memref_slice %arg2[%squeeze3A_236, %dma_start3A_243] : memref<1000000x32xf32, #tpu.memory_space<hbm>> -> memref<1x32xf32, #tpu.memory_space<hbm>>
      tpu.enqueue_dma source(%dma_start3A_244 : memref<1x32xf32, #tpu.memory_space<hbm>>) target(%dma_start3A_242 : memref<1x32xf32, #tpu.memory_space<vmem>>) target_semaphore(%arg10 : memref<!tpu.dma_semaphore, #tpu.memory_space<semaphore_mem>>)
      %mul3A_245 = arith.constant 16 : i32
      %mul3A_246 = arith.muli %scan3A_81, %mul3A_245 : i32
      %add3A_247 = arith.constant 288 : i32
      %add3A_248 = arith.addi %add3A_247, %mul3A_246 : i32
      %add3A_249 = arith.constant 10 : i32
      %add3A_250 = arith.addi %add3A_248, %add3A_249 : i32
      %slice3A_251 = vector.extract_strided_slice %get3A_87 {offsets = [10], sizes = [1], strides = [1]} : vector<16xi32> to vector<1xi32>
      %squeeze3A_252 = vector.extract %slice3A_251[0] : i32 from vector<1xi32>
      %dma_start3A_253 = arith.constant 0 : i32
      %dma_start3A_254 = tpu.memref_slice %arg6[%add3A_250, %dma_start3A_253] : memref<384x32xf32, #tpu.memory_space<vmem>> -> memref<1x32xf32, #tpu.memory_space<vmem>>
      %dma_start3A_255 = arith.constant 0 : i32
      %dma_start3A_256 = tpu.memref_slice %arg2[%squeeze3A_252, %dma_start3A_255] : memref<1000000x32xf32, #tpu.memory_space<hbm>> -> memref<1x32xf32, #tpu.memory_space<hbm>>
      %dma_start3A_257 = arith.constant 0 : i32
      %dma_start3A_258 = tpu.memref_slice %arg6[%add3A_250, %dma_start3A_257] : memref<384x32xf32, #tpu.memory_space<vmem>> -> memref<1x32xf32, #tpu.memory_space<vmem>>
      %dma_start3A_259 = arith.constant 0 : i32
      %dma_start3A_260 = tpu.memref_slice %arg2[%squeeze3A_252, %dma_start3A_259] : memref<1000000x32xf32, #tpu.memory_space<hbm>> -> memref<1x32xf32, #tpu.memory_space<hbm>>
      tpu.enqueue_dma source(%dma_start3A_260 : memref<1x32xf32, #tpu.memory_space<hbm>>) target(%dma_start3A_258 : memref<1x32xf32, #tpu.memory_space<vmem>>) target_semaphore(%arg10 : memref<!tpu.dma_semaphore, #tpu.memory_space<semaphore_mem>>)
      %mul3A_261 = arith.constant 16 : i32
      %mul3A_262 = arith.muli %scan3A_81, %mul3A_261 : i32
      %add3A_263 = arith.constant 288 : i32
      %add3A_264 = arith.addi %add3A_263, %mul3A_262 : i32
      %add3A_265 = arith.constant 11 : i32
      %add3A_266 = arith.addi %add3A_264, %add3A_265 : i32
      %slice3A_267 = vector.extract_strided_slice %get3A_87 {offsets = [11], sizes = [1], strides = [1]} : vector<16xi32> to vector<1xi32>
      %squeeze3A_268 = vector.extract %slice3A_267[0] : i32 from vector<1xi32>
      %dma_start3A_269 = arith.constant 0 : i32
      %dma_start3A_270 = tpu.memref_slice %arg6[%add3A_266, %dma_start3A_269] : memref<384x32xf32, #tpu.memory_space<vmem>> -> memref<1x32xf32, #tpu.memory_space<vmem>>
      %dma_start3A_271 = arith.constant 0 : i32
      %dma_start3A_272 = tpu.memref_slice %arg2[%squeeze3A_268, %dma_start3A_271] : memref<1000000x32xf32, #tpu.memory_space<hbm>> -> memref<1x32xf32, #tpu.memory_space<hbm>>
      %dma_start3A_273 = arith.constant 0 : i32
      %dma_start3A_274 = tpu.memref_slice %arg6[%add3A_266, %dma_start3A_273] : memref<384x32xf32, #tpu.memory_space<vmem>> -> memref<1x32xf32, #tpu.memory_space<vmem>>
      %dma_start3A_275 = arith.constant 0 : i32
      %dma_start3A_276 = tpu.memref_slice %arg2[%squeeze3A_268, %dma_start3A_275] : memref<1000000x32xf32, #tpu.memory_space<hbm>> -> memref<1x32xf32, #tpu.memory_space<hbm>>
      tpu.enqueue_dma source(%dma_start3A_276 : memref<1x32xf32, #tpu.memory_space<hbm>>) target(%dma_start3A_274 : memref<1x32xf32, #tpu.memory_space<vmem>>) target_semaphore(%arg10 : memref<!tpu.dma_semaphore, #tpu.memory_space<semaphore_mem>>)
      %mul3A_277 = arith.constant 16 : i32
      %mul3A_278 = arith.muli %scan3A_81, %mul3A_277 : i32
      %add3A_279 = arith.constant 288 : i32
      %add3A_280 = arith.addi %add3A_279, %mul3A_278 : i32
      %add3A_281 = arith.constant 12 : i32
      %add3A_282 = arith.addi %add3A_280, %add3A_281 : i32
      %slice3A_283 = vector.extract_strided_slice %get3A_87 {offsets = [12], sizes = [1], strides = [1]} : vector<16xi32> to vector<1xi32>
      %squeeze3A_284 = vector.extract %slice3A_283[0] : i32 from vector<1xi32>
      %dma_start3A_285 = arith.constant 0 : i32
      %dma_start3A_286 = tpu.memref_slice %arg6[%add3A_282, %dma_start3A_285] : memref<384x32xf32, #tpu.memory_space<vmem>> -> memref<1x32xf32, #tpu.memory_space<vmem>>
      %dma_start3A_287 = arith.constant 0 : i32
      %dma_start3A_288 = tpu.memref_slice %arg2[%squeeze3A_284, %dma_start3A_287] : memref<1000000x32xf32, #tpu.memory_space<hbm>> -> memref<1x32xf32, #tpu.memory_space<hbm>>
      %dma_start3A_289 = arith.constant 0 : i32
      %dma_start3A_290 = tpu.memref_slice %arg6[%add3A_282, %dma_start3A_289] : memref<384x32xf32, #tpu.memory_space<vmem>> -> memref<1x32xf32, #tpu.memory_space<vmem>>
      %dma_start3A_291 = arith.constant 0 : i32
      %dma_start3A_292 = tpu.memref_slice %arg2[%squeeze3A_284, %dma_start3A_291] : memref<1000000x32xf32, #tpu.memory_space<hbm>> -> memref<1x32xf32, #tpu.memory_space<hbm>>
      tpu.enqueue_dma source(%dma_start3A_292 : memref<1x32xf32, #tpu.memory_space<hbm>>) target(%dma_start3A_290 : memref<1x32xf32, #tpu.memory_space<vmem>>) target_semaphore(%arg10 : memref<!tpu.dma_semaphore, #tpu.memory_space<semaphore_mem>>)
      %mul3A_293 = arith.constant 16 : i32
      %mul3A_294 = arith.muli %scan3A_81, %mul3A_293 : i32
      %add3A_295 = arith.constant 288 : i32
      %add3A_296 = arith.addi %add3A_295, %mul3A_294 : i32
      %add3A_297 = arith.constant 13 : i32
      %add3A_298 = arith.addi %add3A_296, %add3A_297 : i32
      %slice3A_299 = vector.extract_strided_slice %get3A_87 {offsets = [13], sizes = [1], strides = [1]} : vector<16xi32> to vector<1xi32>
      %squeeze3A_300 = vector.extract %slice3A_299[0] : i32 from vector<1xi32>
      %dma_start3A_301 = arith.constant 0 : i32
      %dma_start3A_302 = tpu.memref_slice %arg6[%add3A_298, %dma_start3A_301] : memref<384x32xf32, #tpu.memory_space<vmem>> -> memref<1x32xf32, #tpu.memory_space<vmem>>
      %dma_start3A_303 = arith.constant 0 : i32
      %dma_start3A_304 = tpu.memref_slice %arg2[%squeeze3A_300, %dma_start3A_303] : memref<1000000x32xf32, #tpu.memory_space<hbm>> -> memref<1x32xf32, #tpu.memory_space<hbm>>
      %dma_start3A_305 = arith.constant 0 : i32
      %dma_start3A_306 = tpu.memref_slice %arg6[%add3A_298, %dma_start3A_305] : memref<384x32xf32, #tpu.memory_space<vmem>> -> memref<1x32xf32, #tpu.memory_space<vmem>>
      %dma_start3A_307 = arith.constant 0 : i32
      %dma_start3A_308 = tpu.memref_slice %arg2[%squeeze3A_300, %dma_start3A_307] : memref<1000000x32xf32, #tpu.memory_space<hbm>> -> memref<1x32xf32, #tpu.memory_space<hbm>>
      tpu.enqueue_dma source(%dma_start3A_308 : memref<1x32xf32, #tpu.memory_space<hbm>>) target(%dma_start3A_306 : memref<1x32xf32, #tpu.memory_space<vmem>>) target_semaphore(%arg10 : memref<!tpu.dma_semaphore, #tpu.memory_space<semaphore_mem>>)
      %mul3A_309 = arith.constant 16 : i32
      %mul3A_310 = arith.muli %scan3A_81, %mul3A_309 : i32
      %add3A_311 = arith.constant 288 : i32
      %add3A_312 = arith.addi %add3A_311, %mul3A_310 : i32
      %add3A_313 = arith.constant 14 : i32
      %add3A_314 = arith.addi %add3A_312, %add3A_313 : i32
      %slice3A_315 = vector.extract_strided_slice %get3A_87 {offsets = [14], sizes = [1], strides = [1]} : vector<16xi32> to vector<1xi32>
      %squeeze3A_316 = vector.extract %slice3A_315[0] : i32 from vector<1xi32>
      %dma_start3A_317 = arith.constant 0 : i32
      %dma_start3A_318 = tpu.memref_slice %arg6[%add3A_314, %dma_start3A_317] : memref<384x32xf32, #tpu.memory_space<vmem>> -> memref<1x32xf32, #tpu.memory_space<vmem>>
      %dma_start3A_319 = arith.constant 0 : i32
      %dma_start3A_320 = tpu.memref_slice %arg2[%squeeze3A_316, %dma_start3A_319] : memref<1000000x32xf32, #tpu.memory_space<hbm>> -> memref<1x32xf32, #tpu.memory_space<hbm>>
      %dma_start3A_321 = arith.constant 0 : i32
      %dma_start3A_322 = tpu.memref_slice %arg6[%add3A_314, %dma_start3A_321] : memref<384x32xf32, #tpu.memory_space<vmem>> -> memref<1x32xf32, #tpu.memory_space<vmem>>
      %dma_start3A_323 = arith.constant 0 : i32
      %dma_start3A_324 = tpu.memref_slice %arg2[%squeeze3A_316, %dma_start3A_323] : memref<1000000x32xf32, #tpu.memory_space<hbm>> -> memref<1x32xf32, #tpu.memory_space<hbm>>
      tpu.enqueue_dma source(%dma_start3A_324 : memref<1x32xf32, #tpu.memory_space<hbm>>) target(%dma_start3A_322 : memref<1x32xf32, #tpu.memory_space<vmem>>) target_semaphore(%arg10 : memref<!tpu.dma_semaphore, #tpu.memory_space<semaphore_mem>>)
      %mul3A_325 = arith.constant 16 : i32
      %mul3A_326 = arith.muli %scan3A_81, %mul3A_325 : i32
      %add3A_327 = arith.constant 288 : i32
      %add3A_328 = arith.addi %add3A_327, %mul3A_326 : i32
      %add3A_329 = arith.constant 15 : i32
      %add3A_330 = arith.addi %add3A_328, %add3A_329 : i32
      %slice3A_331 = vector.extract_strided_slice %get3A_87 {offsets = [15], sizes = [1], strides = [1]} : vector<16xi32> to vector<1xi32>
      %squeeze3A_332 = vector.extract %slice3A_331[0] : i32 from vector<1xi32>
      %dma_start3A_333 = arith.constant 0 : i32
      %dma_start3A_334 = tpu.memref_slice %arg6[%add3A_330, %dma_start3A_333] : memref<384x32xf32, #tpu.memory_space<vmem>> -> memref<1x32xf32, #tpu.memory_space<vmem>>
      %dma_start3A_335 = arith.constant 0 : i32
      %dma_start3A_336 = tpu.memref_slice %arg2[%squeeze3A_332, %dma_start3A_335] : memref<1000000x32xf32, #tpu.memory_space<hbm>> -> memref<1x32xf32, #tpu.memory_space<hbm>>
      %dma_start3A_337 = arith.constant 0 : i32
      %dma_start3A_338 = tpu.memref_slice %arg6[%add3A_330, %dma_start3A_337] : memref<384x32xf32, #tpu.memory_space<vmem>> -> memref<1x32xf32, #tpu.memory_space<vmem>>
      %dma_start3A_339 = arith.constant 0 : i32
      %dma_start3A_340 = tpu.memref_slice %arg2[%squeeze3A_332, %dma_start3A_339] : memref<1000000x32xf32, #tpu.memory_space<hbm>> -> memref<1x32xf32, #tpu.memory_space<hbm>>
      tpu.enqueue_dma source(%dma_start3A_340 : memref<1x32xf32, #tpu.memory_space<hbm>>) target(%dma_start3A_338 : memref<1x32xf32, #tpu.memory_space<vmem>>) target_semaphore(%arg10 : memref<!tpu.dma_semaphore, #tpu.memory_space<semaphore_mem>>)
    }
    %scan3A_25 = arith.constant 6 : i32
    %dma_wait3A = arith.constant 0 : i32
    %dma_wait3A_26 = arith.constant 0 : i32
    %dma_wait3A_27 = tpu.memref_slice %arg6[%dma_wait3A, %dma_wait3A_26] : memref<384x32xf32, #tpu.memory_space<vmem>> -> memref<96x32xf32, #tpu.memory_space<vmem>>
    %dma_wait3A_28 = arith.constant 0 : i32
    %dma_wait3A_29 = arith.constant 0 : i32
    %dma_wait3A_30 = tpu.memref_slice %arg2[%dma_wait3A_28, %dma_wait3A_29] : memref<1000000x32xf32, #tpu.memory_space<hbm>> -> memref<96x32xf32, #tpu.memory_space<hbm>>
    %dma_wait3A_31 = arith.constant 0 : i32
    %dma_wait3A_32 = arith.constant 0 : i32
    %dma_wait3A_33 = tpu.memref_slice %arg6[%dma_wait3A_31, %dma_wait3A_32] : memref<384x32xf32, #tpu.memory_space<vmem>> -> memref<96x32xf32, #tpu.memory_space<vmem>>
    %dma_wait3A_34 = arith.constant 0 : i32
    %dma_wait3A_35 = arith.constant 0 : i32
    %dma_wait3A_36 = tpu.memref_slice %arg2[%dma_wait3A_34, %dma_wait3A_35] : memref<1000000x32xf32, #tpu.memory_space<hbm>> -> memref<96x32xf32, #tpu.memory_space<hbm>>
    tpu.wait_dma2 semaphore(%arg7 : memref<!tpu.dma_semaphore, #tpu.memory_space<semaphore_mem>>) src(%dma_wait3A_36 : memref<96x32xf32, #tpu.memory_space<hbm>>) dst(%dma_wait3A_33 : memref<96x32xf32, #tpu.memory_space<vmem>>)
    %add3A_37 = arith.constant 0 : i32
    %add3A_38 = arith.addi %mul3A_2, %add3A_37 : i32
    "tpu.region"() ({
      %run_scoped3A = tpu.sem_alloc : memref<!tpu.dma_semaphore, #tpu.memory_space<semaphore_mem>>
      %dma_start3A = arith.constant 0 : i32
      %dma_start3A_81 = arith.constant 0 : i32
      %dma_start3A_82 = tpu.memref_slice %arg6[%dma_start3A, %dma_start3A_81] : memref<384x32xf32, #tpu.memory_space<vmem>> -> memref<96x32xf32, #tpu.memory_space<vmem>>
      %dma_start3A_83 = arith.constant 0 : i32
      %dma_start3A_84 = tpu.memref_slice %arg4[%add3A_38, %dma_start3A_83] : memref<12288x32xf32, #tpu.memory_space<hbm>> -> memref<96x32xf32, #tpu.memory_space<hbm>>
      %dma_start3A_85 = arith.constant 0 : i32
      %dma_start3A_86 = tpu.memref_slice %arg4[%add3A_38, %dma_start3A_85] : memref<12288x32xf32, #tpu.memory_space<hbm>> -> memref<96x32xf32, #tpu.memory_space<hbm>>
      %dma_start3A_87 = arith.constant 0 : i32
      %dma_start3A_88 = arith.constant 0 : i32
      %dma_start3A_89 = tpu.memref_slice %arg6[%dma_start3A_87, %dma_start3A_88] : memref<384x32xf32, #tpu.memory_space<vmem>> -> memref<96x32xf32, #tpu.memory_space<vmem>>
      tpu.enqueue_dma source(%dma_start3A_89 : memref<96x32xf32, #tpu.memory_space<vmem>>) target(%dma_start3A_86 : memref<96x32xf32, #tpu.memory_space<hbm>>) target_semaphore(%run_scoped3A : memref<!tpu.dma_semaphore, #tpu.memory_space<semaphore_mem>>)
      %dma_wait3A_90 = arith.constant 0 : i32
      %dma_wait3A_91 = arith.constant 0 : i32
      %dma_wait3A_92 = tpu.memref_slice %arg6[%dma_wait3A_90, %dma_wait3A_91] : memref<384x32xf32, #tpu.memory_space<vmem>> -> memref<96x32xf32, #tpu.memory_space<vmem>>
      %dma_wait3A_93 = arith.constant 0 : i32
      %dma_wait3A_94 = tpu.memref_slice %arg4[%add3A_38, %dma_wait3A_93] : memref<12288x32xf32, #tpu.memory_space<hbm>> -> memref<96x32xf32, #tpu.memory_space<hbm>>
      %dma_wait3A_95 = arith.constant 0 : i32
      %dma_wait3A_96 = tpu.memref_slice %arg4[%add3A_38, %dma_wait3A_95] : memref<12288x32xf32, #tpu.memory_space<hbm>> -> memref<96x32xf32, #tpu.memory_space<hbm>>
      %dma_wait3A_97 = arith.constant 0 : i32
      %dma_wait3A_98 = arith.constant 0 : i32
      %dma_wait3A_99 = tpu.memref_slice %arg6[%dma_wait3A_97, %dma_wait3A_98] : memref<384x32xf32, #tpu.memory_space<vmem>> -> memref<96x32xf32, #tpu.memory_space<vmem>>
      tpu.wait_dma2 semaphore(%run_scoped3A : memref<!tpu.dma_semaphore, #tpu.memory_space<semaphore_mem>>) src(%dma_wait3A_99 : memref<96x32xf32, #tpu.memory_space<vmem>>) dst(%dma_wait3A_96 : memref<96x32xf32, #tpu.memory_space<hbm>>)
      tpu.yield
    }) : () -> ()
    %dma_wait3A_39 = arith.constant 96 : i32
    %dma_wait3A_40 = arith.constant 0 : i32
    %dma_wait3A_41 = tpu.memref_slice %arg6[%dma_wait3A_39, %dma_wait3A_40] : memref<384x32xf32, #tpu.memory_space<vmem>> -> memref<96x32xf32, #tpu.memory_space<vmem>>
    %dma_wait3A_42 = arith.constant 0 : i32
    %dma_wait3A_43 = arith.constant 0 : i32
    %dma_wait3A_44 = tpu.memref_slice %arg2[%dma_wait3A_42, %dma_wait3A_43] : memref<1000000x32xf32, #tpu.memory_space<hbm>> -> memref<96x32xf32, #tpu.memory_space<hbm>>
    %dma_wait3A_45 = arith.constant 96 : i32
    %dma_wait3A_46 = arith.constant 0 : i32
    %dma_wait3A_47 = tpu.memref_slice %arg6[%dma_wait3A_45, %dma_wait3A_46] : memref<384x32xf32, #tpu.memory_space<vmem>> -> memref<96x32xf32, #tpu.memory_space<vmem>>
    %dma_wait3A_48 = arith.constant 0 : i32
    %dma_wait3A_49 = arith.constant 0 : i32
    %dma_wait3A_50 = tpu.memref_slice %arg2[%dma_wait3A_48, %dma_wait3A_49] : memref<1000000x32xf32, #tpu.memory_space<hbm>> -> memref<96x32xf32, #tpu.memory_space<hbm>>
    tpu.wait_dma2 semaphore(%arg8 : memref<!tpu.dma_semaphore, #tpu.memory_space<semaphore_mem>>) src(%dma_wait3A_50 : memref<96x32xf32, #tpu.memory_space<hbm>>) dst(%dma_wait3A_47 : memref<96x32xf32, #tpu.memory_space<vmem>>)
    %add3A_51 = arith.constant 96 : i32
    %add3A_52 = arith.addi %mul3A_2, %add3A_51 : i32
    "tpu.region"() ({
      %run_scoped3A = tpu.sem_alloc : memref<!tpu.dma_semaphore, #tpu.memory_space<semaphore_mem>>
      %dma_start3A = arith.constant 96 : i32
      %dma_start3A_81 = arith.constant 0 : i32
      %dma_start3A_82 = tpu.memref_slice %arg6[%dma_start3A, %dma_start3A_81] : memref<384x32xf32, #tpu.memory_space<vmem>> -> memref<96x32xf32, #tpu.memory_space<vmem>>
      %dma_start3A_83 = arith.constant 0 : i32
      %dma_start3A_84 = tpu.memref_slice %arg4[%add3A_52, %dma_start3A_83] : memref<12288x32xf32, #tpu.memory_space<hbm>> -> memref<96x32xf32, #tpu.memory_space<hbm>>
      %dma_start3A_85 = arith.constant 0 : i32
      %dma_start3A_86 = tpu.memref_slice %arg4[%add3A_52, %dma_start3A_85] : memref<12288x32xf32, #tpu.memory_space<hbm>> -> memref<96x32xf32, #tpu.memory_space<hbm>>
      %dma_start3A_87 = arith.constant 96 : i32
      %dma_start3A_88 = arith.constant 0 : i32
      %dma_start3A_89 = tpu.memref_slice %arg6[%dma_start3A_87, %dma_start3A_88] : memref<384x32xf32, #tpu.memory_space<vmem>> -> memref<96x32xf32, #tpu.memory_space<vmem>>
      tpu.enqueue_dma source(%dma_start3A_89 : memref<96x32xf32, #tpu.memory_space<vmem>>) target(%dma_start3A_86 : memref<96x32xf32, #tpu.memory_space<hbm>>) target_semaphore(%run_scoped3A : memref<!tpu.dma_semaphore, #tpu.memory_space<semaphore_mem>>)
      %dma_wait3A_90 = arith.constant 96 : i32
      %dma_wait3A_91 = arith.constant 0 : i32
      %dma_wait3A_92 = tpu.memref_slice %arg6[%dma_wait3A_90, %dma_wait3A_91] : memref<384x32xf32, #tpu.memory_space<vmem>> -> memref<96x32xf32, #tpu.memory_space<vmem>>
      %dma_wait3A_93 = arith.constant 0 : i32
      %dma_wait3A_94 = tpu.memref_slice %arg4[%add3A_52, %dma_wait3A_93] : memref<12288x32xf32, #tpu.memory_space<hbm>> -> memref<96x32xf32, #tpu.memory_space<hbm>>
      %dma_wait3A_95 = arith.constant 0 : i32
      %dma_wait3A_96 = tpu.memref_slice %arg4[%add3A_52, %dma_wait3A_95] : memref<12288x32xf32, #tpu.memory_space<hbm>> -> memref<96x32xf32, #tpu.memory_space<hbm>>
      %dma_wait3A_97 = arith.constant 96 : i32
      %dma_wait3A_98 = arith.constant 0 : i32
      %dma_wait3A_99 = tpu.memref_slice %arg6[%dma_wait3A_97, %dma_wait3A_98] : memref<384x32xf32, #tpu.memory_space<vmem>> -> memref<96x32xf32, #tpu.memory_space<vmem>>
      tpu.wait_dma2 semaphore(%run_scoped3A : memref<!tpu.dma_semaphore, #tpu.memory_space<semaphore_mem>>) src(%dma_wait3A_99 : memref<96x32xf32, #tpu.memory_space<vmem>>) dst(%dma_wait3A_96 : memref<96x32xf32, #tpu.memory_space<hbm>>)
      tpu.yield
    }) : () -> ()
    %dma_wait3A_53 = arith.constant 192 : i32
    %dma_wait3A_54 = arith.constant 0 : i32
    %dma_wait3A_55 = tpu.memref_slice %arg6[%dma_wait3A_53, %dma_wait3A_54] : memref<384x32xf32, #tpu.memory_space<vmem>> -> memref<96x32xf32, #tpu.memory_space<vmem>>
    %dma_wait3A_56 = arith.constant 0 : i32
    %dma_wait3A_57 = arith.constant 0 : i32
    %dma_wait3A_58 = tpu.memref_slice %arg2[%dma_wait3A_56, %dma_wait3A_57] : memref<1000000x32xf32, #tpu.memory_space<hbm>> -> memref<96x32xf32, #tpu.memory_space<hbm>>
    %dma_wait3A_59 = arith.constant 192 : i32
    %dma_wait3A_60 = arith.constant 0 : i32
    %dma_wait3A_61 = tpu.memref_slice %arg6[%dma_wait3A_59, %dma_wait3A_60] : memref<384x32xf32, #tpu.memory_space<vmem>> -> memref<96x32xf32, #tpu.memory_space<vmem>>
    %dma_wait3A_62 = arith.constant 0 : i32
    %dma_wait3A_63 = arith.constant 0 : i32
    %dma_wait3A_64 = tpu.memref_slice %arg2[%dma_wait3A_62, %dma_wait3A_63] : memref<1000000x32xf32, #tpu.memory_space<hbm>> -> memref<96x32xf32, #tpu.memory_space<hbm>>
    tpu.wait_dma2 semaphore(%arg9 : memref<!tpu.dma_semaphore, #tpu.memory_space<semaphore_mem>>) src(%dma_wait3A_64 : memref<96x32xf32, #tpu.memory_space<hbm>>) dst(%dma_wait3A_61 : memref<96x32xf32, #tpu.memory_space<vmem>>)
    %add3A_65 = arith.constant 192 : i32
    %add3A_66 = arith.addi %mul3A_2, %add3A_65 : i32
    "tpu.region"() ({
      %run_scoped3A = tpu.sem_alloc : memref<!tpu.dma_semaphore, #tpu.memory_space<semaphore_mem>>
      %dma_start3A = arith.constant 192 : i32
      %dma_start3A_81 = arith.constant 0 : i32
      %dma_start3A_82 = tpu.memref_slice %arg6[%dma_start3A, %dma_start3A_81] : memref<384x32xf32, #tpu.memory_space<vmem>> -> memref<96x32xf32, #tpu.memory_space<vmem>>
      %dma_start3A_83 = arith.constant 0 : i32
      %dma_start3A_84 = tpu.memref_slice %arg4[%add3A_66, %dma_start3A_83] : memref<12288x32xf32, #tpu.memory_space<hbm>> -> memref<96x32xf32, #tpu.memory_space<hbm>>
      %dma_start3A_85 = arith.constant 0 : i32
      %dma_start3A_86 = tpu.memref_slice %arg4[%add3A_66, %dma_start3A_85] : memref<12288x32xf32, #tpu.memory_space<hbm>> -> memref<96x32xf32, #tpu.memory_space<hbm>>
      %dma_start3A_87 = arith.constant 192 : i32
      %dma_start3A_88 = arith.constant 0 : i32
      %dma_start3A_89 = tpu.memref_slice %arg6[%dma_start3A_87, %dma_start3A_88] : memref<384x32xf32, #tpu.memory_space<vmem>> -> memref<96x32xf32, #tpu.memory_space<vmem>>
      tpu.enqueue_dma source(%dma_start3A_89 : memref<96x32xf32, #tpu.memory_space<vmem>>) target(%dma_start3A_86 : memref<96x32xf32, #tpu.memory_space<hbm>>) target_semaphore(%run_scoped3A : memref<!tpu.dma_semaphore, #tpu.memory_space<semaphore_mem>>)
      %dma_wait3A_90 = arith.constant 192 : i32
      %dma_wait3A_91 = arith.constant 0 : i32
      %dma_wait3A_92 = tpu.memref_slice %arg6[%dma_wait3A_90, %dma_wait3A_91] : memref<384x32xf32, #tpu.memory_space<vmem>> -> memref<96x32xf32, #tpu.memory_space<vmem>>
      %dma_wait3A_93 = arith.constant 0 : i32
      %dma_wait3A_94 = tpu.memref_slice %arg4[%add3A_66, %dma_wait3A_93] : memref<12288x32xf32, #tpu.memory_space<hbm>> -> memref<96x32xf32, #tpu.memory_space<hbm>>
      %dma_wait3A_95 = arith.constant 0 : i32
      %dma_wait3A_96 = tpu.memref_slice %arg4[%add3A_66, %dma_wait3A_95] : memref<12288x32xf32, #tpu.memory_space<hbm>> -> memref<96x32xf32, #tpu.memory_space<hbm>>
      %dma_wait3A_97 = arith.constant 192 : i32
      %dma_wait3A_98 = arith.constant 0 : i32
      %dma_wait3A_99 = tpu.memref_slice %arg6[%dma_wait3A_97, %dma_wait3A_98] : memref<384x32xf32, #tpu.memory_space<vmem>> -> memref<96x32xf32, #tpu.memory_space<vmem>>
      tpu.wait_dma2 semaphore(%run_scoped3A : memref<!tpu.dma_semaphore, #tpu.memory_space<semaphore_mem>>) src(%dma_wait3A_99 : memref<96x32xf32, #tpu.memory_space<vmem>>) dst(%dma_wait3A_96 : memref<96x32xf32, #tpu.memory_space<hbm>>)
      tpu.yield
    }) : () -> ()
    %dma_wait3A_67 = arith.constant 288 : i32
    %dma_wait3A_68 = arith.constant 0 : i32
    %dma_wait3A_69 = tpu.memref_slice %arg6[%dma_wait3A_67, %dma_wait3A_68] : memref<384x32xf32, #tpu.memory_space<vmem>> -> memref<96x32xf32, #tpu.memory_space<vmem>>
    %dma_wait3A_70 = arith.constant 0 : i32
    %dma_wait3A_71 = arith.constant 0 : i32
    %dma_wait3A_72 = tpu.memref_slice %arg2[%dma_wait3A_70, %dma_wait3A_71] : memref<1000000x32xf32, #tpu.memory_space<hbm>> -> memref<96x32xf32, #tpu.memory_space<hbm>>
    %dma_wait3A_73 = arith.constant 288 : i32
    %dma_wait3A_74 = arith.constant 0 : i32
    %dma_wait3A_75 = tpu.memref_slice %arg6[%dma_wait3A_73, %dma_wait3A_74] : memref<384x32xf32, #tpu.memory_space<vmem>> -> memref<96x32xf32, #tpu.memory_space<vmem>>
    %dma_wait3A_76 = arith.constant 0 : i32
    %dma_wait3A_77 = arith.constant 0 : i32
    %dma_wait3A_78 = tpu.memref_slice %arg2[%dma_wait3A_76, %dma_wait3A_77] : memref<1000000x32xf32, #tpu.memory_space<hbm>> -> memref<96x32xf32, #tpu.memory_space<hbm>>
    tpu.wait_dma2 semaphore(%arg10 : memref<!tpu.dma_semaphore, #tpu.memory_space<semaphore_mem>>) src(%dma_wait3A_78 : memref<96x32xf32, #tpu.memory_space<hbm>>) dst(%dma_wait3A_75 : memref<96x32xf32, #tpu.memory_space<vmem>>)
    %add3A_79 = arith.constant 288 : i32
    %add3A_80 = arith.addi %mul3A_2, %add3A_79 : i32
    "tpu.region"() ({
      %run_scoped3A = tpu.sem_alloc : memref<!tpu.dma_semaphore, #tpu.memory_space<semaphore_mem>>
      %dma_start3A = arith.constant 288 : i32
      %dma_start3A_81 = arith.constant 0 : i32
      %dma_start3A_82 = tpu.memref_slice %arg6[%dma_start3A, %dma_start3A_81] : memref<384x32xf32, #tpu.memory_space<vmem>> -> memref<96x32xf32, #tpu.memory_space<vmem>>
      %dma_start3A_83 = arith.constant 0 : i32
      %dma_start3A_84 = tpu.memref_slice %arg4[%add3A_80, %dma_start3A_83] : memref<12288x32xf32, #tpu.memory_space<hbm>> -> memref<96x32xf32, #tpu.memory_space<hbm>>
      %dma_start3A_85 = arith.constant 0 : i32
      %dma_start3A_86 = tpu.memref_slice %arg4[%add3A_80, %dma_start3A_85] : memref<12288x32xf32, #tpu.memory_space<hbm>> -> memref<96x32xf32, #tpu.memory_space<hbm>>
      %dma_start3A_87 = arith.constant 288 : i32
      %dma_start3A_88 = arith.constant 0 : i32
      %dma_start3A_89 = tpu.memref_slice %arg6[%dma_start3A_87, %dma_start3A_88] : memref<384x32xf32, #tpu.memory_space<vmem>> -> memref<96x32xf32, #tpu.memory_space<vmem>>
      tpu.enqueue_dma source(%dma_start3A_89 : memref<96x32xf32, #tpu.memory_space<vmem>>) target(%dma_start3A_86 : memref<96x32xf32, #tpu.memory_space<hbm>>) target_semaphore(%run_scoped3A : memref<!tpu.dma_semaphore, #tpu.memory_space<semaphore_mem>>)
      %dma_wait3A_90 = arith.constant 288 : i32
      %dma_wait3A_91 = arith.constant 0 : i32
      %dma_wait3A_92 = tpu.memref_slice %arg6[%dma_wait3A_90, %dma_wait3A_91] : memref<384x32xf32, #tpu.memory_space<vmem>> -> memref<96x32xf32, #tpu.memory_space<vmem>>
      %dma_wait3A_93 = arith.constant 0 : i32
      %dma_wait3A_94 = tpu.memref_slice %arg4[%add3A_80, %dma_wait3A_93] : memref<12288x32xf32, #tpu.memory_space<hbm>> -> memref<96x32xf32, #tpu.memory_space<hbm>>
      %dma_wait3A_95 = arith.constant 0 : i32
      %dma_wait3A_96 = tpu.memref_slice %arg4[%add3A_80, %dma_wait3A_95] : memref<12288x32xf32, #tpu.memory_space<hbm>> -> memref<96x32xf32, #tpu.memory_space<hbm>>
      %dma_wait3A_97 = arith.constant 288 : i32
      %dma_wait3A_98 = arith.constant 0 : i32
      %dma_wait3A_99 = tpu.memref_slice %arg6[%dma_wait3A_97, %dma_wait3A_98] : memref<384x32xf32, #tpu.memory_space<vmem>> -> memref<96x32xf32, #tpu.memory_space<vmem>>
      tpu.wait_dma2 semaphore(%run_scoped3A : memref<!tpu.dma_semaphore, #tpu.memory_space<semaphore_mem>>) src(%dma_wait3A_99 : memref<96x32xf32, #tpu.memory_space<vmem>>) dst(%dma_wait3A_96 : memref<96x32xf32, #tpu.memory_space<hbm>>)
      tpu.yield
    }) : () -> ()
    return
  }
}

module attributes {stable_mosaic.version = 14 : i64} {
  func.func @tc_kernel(%arg0: memref<4096xi32, #tpu.memory_space<smem>>, %arg1: memref<1000000x32xf32, #tpu.memory_space<any>>, %arg2: memref<4096x32xf32, #tpu.memory_space<vmem>>, %arg3: memref<!tpu.dma_semaphore, #tpu.memory_space<semaphore_mem>>) attributes {dimension_semantics = [], scalar_prefetch = 0 : i64, scratch_operands = 1 : i64, tpu.core_type = #tpu.core_type<tc>} {
    %scan3A = arith.constant 0 : i32
    %scan3A_0 = arith.constant 4096 : i32
    %scan3A_1 = arith.addi %scan3A, %scan3A_0 : i32
    %scan3A_2 = arith.constant 1 : i32
    scf.for %scan3A_6 = %scan3A to %scan3A_1 step %scan3A_2  : i32 {
      %get3A = arith.index_cast %scan3A_6 : i32 to index
      %get3A_7 = memref.load %arg0[%get3A] : memref<4096xi32, #tpu.memory_space<smem>>
      %dma_start3A = arith.constant 0 : i32
      %dma_start3A_8 = tpu.memref_slice %arg2[%scan3A_6, %dma_start3A] : memref<4096x32xf32, #tpu.memory_space<vmem>> -> memref<1x32xf32, #tpu.memory_space<vmem>>
      %dma_start3A_9 = arith.constant 0 : i32
      %dma_start3A_10 = tpu.memref_slice %arg1[%get3A_7, %dma_start3A_9] : memref<1000000x32xf32, #tpu.memory_space<any>> -> memref<1x32xf32, #tpu.memory_space<any>>
      tpu.enqueue_dma source(%dma_start3A_10 : memref<1x32xf32, #tpu.memory_space<any>>) target(%dma_start3A_8 : memref<1x32xf32, #tpu.memory_space<vmem>>) target_semaphore(%arg3 : memref<!tpu.dma_semaphore, #tpu.memory_space<semaphore_mem>>)
    }
    %scan3A_3 = arith.constant 4096 : i32
    %dma_wait3A = arith.constant 0 : i32
    %dma_wait3A_4 = arith.constant 0 : i32
    %dma_wait3A_5 = tpu.memref_slice %arg1[%dma_wait3A, %dma_wait3A_4] : memref<1000000x32xf32, #tpu.memory_space<any>> -> memref<4096x32xf32, #tpu.memory_space<any>>
    tpu.wait_dma2 semaphore(%arg3 : memref<!tpu.dma_semaphore, #tpu.memory_space<semaphore_mem>>) src(%dma_wait3A_5 : memref<4096x32xf32, #tpu.memory_space<any>>) dst(%arg2 : memref<4096x32xf32, #tpu.memory_space<vmem>>)
    return
  }
}

</mosaic_0001>

<sc_bundles>
// kernel: kernel.4.cloned.1.call-start
scs
__scs_entry_jumppad:
0x0: {  	(pc) =	sbr.rel $0x88, $3  }
0x1: {  	(tag) =	ssettag $0x0;
	lr =	simm.s32 $0x1  }
0x2: {  	[smem:$0x3F9F] =	sst lr;
	_ =	strace $0xD0000000  }
0x3: {  	_ = 	snop  }
0x4: {  	_ = 	snop  }
0x5: {  	_ = 	snop  }
0x6: {  	_ = 	snop  }
0x7: {  	_ = 	snop  }
__scs_overlays_trampoline_lowered:
0x8: {  	[smem:$0x3FAE] =	sst s0  }
0x9: {  	[smem:$0x3FAF] =	sst s1  }
0xa: {  	[smem:$0x3FB0] =	sst s2  }
0xb: {  	[smem:$0x3FB1] =	sst s3  }
0xc: {  	[smem:$0x3FB2] =	sst s4  }
0xd: {  	[smem:$0x3FB3] =	sst s5  }
0xe: {  	[smem:$0x3FB4] =	sst s6  }
0xf: {  	[smem:$0x3FB5] =	sst s7  }
0x10: {  	[smem:$0x3FB6] =	sst s8  }
0x11: {  	[smem:$0x3FB7] =	sst s9;
	s0 =	simm.s32 @!p0 $0x0  }
0x12: {  	s1 =	sld [smem:$0x3F9D];
	s0 =	simm.s32 @p0 $0x1  }
0x13: {  	[smem:$0x3FB8] =	sst s0;
	s0 =	simm.s32 @!p1 $0x0  }
0x14: {  	s2 =	sld [smem:$0x3F9C];
	s0 =	simm.s32 @p1 $0x1  }
0x15: {  	[smem:$0x3FB9] =	sst s0;
	s0 =	simm.s32 @!p2 $0x0  }
0x16: {  	s3 =	sld [smem:$0x3FDB];
	s0 =	simm.s32 @p2 $0x1  }
0x17: {  	s4 =	simm.s32 $0x1BF5;
	[smem:$0x3FBB] =	sst s0  }
0x18: {  	s0 =	sld [smem:$0x3F9E];
	_ =	swait.ge [sflag:s4], $0x0  }
0x19: {  	s7 =	sld [smem:$0x3F9F]  }
0x1a: {  	s8 =	sadd.s32 $0xFFFFE003, lr  }
0x1b: {  	s9 =	sadd.s32 $0xFFFFFEF7, lr;
	s5 =	simm.s32 $0xFFFFFFFF;
	p2 =	slt.u32 s8, $0xFFFFF086  }
0x1c: {  	p1 =	slt.u32 s9, $0xF7A;
	s5 =	simm.s32 @!p2 $0x0  }
0x1d: {  	s5 =	simm.s32 @p1 $0x1;
	p0 =	seq.s32 s7, s2  }
0x1e: {  	s7 =	smul.u32 @!p0 $0xF7A, s2;
	p2 =	seq.s32 @!p0 s5, $0x0  }
0x1f: {  	s9 =	smul.u32 $0xF7A, s1;
	s8 =	simm.s32 @!p0 $0x1BF5;
	p2 =	por !p2, p0  }
0x20: {  	[sflag:s8] =	ssyncset.s32 @!p0 $0xFFFFF086;
	s6 =	sadd.s32 @!p0 s3, s7;
	s7 =	simm.s32 @!p0 $0x108  }
0x21: {  	s3 =	sadd.s32 s3, s9;
	s6 =	sadd.s32 @!p0 $0x88, s6;
	s7 =	simm.s32 @p2 $0x1082  }
0x22: {  	[simem:s7], [sflag:s8] =	dma.local @!p0 [hbm:s6], $0xF7A  }
0x23: {  	s9 =	sor.u32 $0xD0000000, s2;
	s6 =	simm.s32 $0x108;
	_ =	swait.ge @!p0 [sflag:s8], $0x0  }
0x24: {  	s3 =	sadd.s32 $0x88, s3;
	s6 =	simm.s32 @!p1 $0x1082;
	[sflag:s4] =	ssyncset.s32 $0xFFFFF086  }
0x25: {  	[simem:s6], [sflag:s4] =	dma.local [hbm:s3], $0xF7A  }
0x26: {  	[smem:$0x3F9F] =	sst s1;
	(tag) =	ssettag s2;
	_ =	strace s9  }
0x27: {  	s1 =	sld [smem:$0x3FAF]  }
0x28: {  	s2 =	sld [smem:$0x3FB0]  }
0x29: {  	s4 =	sld [smem:$0x3FB2]  }
0x2a: {  	p0 =	seq.s32 s5, $0x0;
	s5 =	sld [smem:$0x3FB3]  }
0x2b: {  	s6 =	sld [smem:$0x3FB4]  }
0x2c: {  	s7 =	sld [smem:$0x3FB5]  }
0x2d: {  	s3 =	simm.s32 $0x108;
	s8 =	sld [smem:$0x3FB6]  }
0x2e: {  	s3 =	simm.s32 @!p0 $0x1082;
	s9 =	sld [smem:$0x3FB7]  }
0x2f: {  	lr =	sadd.s32 s0, s3;
	s0 =	sld [smem:$0x3FAE]  }
0x30: {  	s3 =	sld [smem:$0x3FB1]  }
0x31: {  	[smem:$0x3FBA] =	sst s10  }
0x32: {  	s10 =	sld [smem:$0x3FB8];
	_ =	sdelay $0x3  }
0x33: {  	p0 =	seq.s32 s10, $0x1;
	s10 =	sld [smem:$0x3FBA];
	_ =	sdelay $0x3  }
0x34: {  	[smem:$0x3FBA] =	sst s10  }
0x35: {  	s10 =	sld [smem:$0x3FB9];
	_ =	sdelay $0x3  }
0x36: {  	p1 =	seq.s32 s10, $0x1;
	s10 =	sld [smem:$0x3FBA];
	_ =	sdelay $0x3  }
0x37: {  	[smem:$0x3FBA] =	sst s10  }
0x38: {  	s10 =	sld [smem:$0x3FBB]  }
0x39: {  	_ = 	snop;
	(pc) =	sbr.ind lr, $3  }
0x3a: {  	_ = 	snop  }
0x3b: {  	_ = 	snop  }
0x3c: {  	p2 =	seq.s32 s10, $0x1;
	s10 =	sld [smem:$0x3FBA]  }
0x3d: {  	_ =	shalt  }
0x3e: {  	_ =	shalt  }
0x3f: {  	_ =	shalt  }
0x40: {  	_ =	shalt  }
0x41: {  	_ =	shalt  }
0x42: {  	_ =	shalt  }
0x43: {  	_ =	shalt  }
0x44: {  	_ =	shalt  }
0x45: {  	_ =	shalt  }
0x46: {  	_ =	shalt  }
0x47: {  	_ =	shalt  }
0x48: {  	_ =	shalt  }
0x49: {  	_ =	shalt  }
0x4a: {  	_ =	shalt  }
0x4b: {  	_ =	shalt  }
0x4c: {  	_ =	shalt  }
0x4d: {  	_ =	shalt  }
0x4e: {  	_ =	shalt  }
0x4f: {  	_ =	shalt  }
0x50: {  	_ =	shalt  }
0x51: {  	_ =	shalt  }
0x52: {  	_ =	shalt  }
0x53: {  	_ =	shalt  }
0x54: {  	_ =	shalt  }
0x55: {  	_ =	shalt  }
0x56: {  	_ =	shalt  }
0x57: {  	_ =	shalt  }
0x58: {  	_ =	shalt  }
0x59: {  	_ =	shalt  }
0x5a: {  	_ =	shalt  }
0x5b: {  	_ =	shalt  }
0x5c: {  	_ =	shalt  }
0x5d: {  	_ =	shalt  }
0x5e: {  	_ =	shalt  }
0x5f: {  	_ =	shalt  }
0x60: {  	_ =	shalt  }
0x61: {  	_ =	shalt  }
0x62: {  	_ =	shalt  }
0x63: {  	_ =	shalt  }
0x64: {  	_ =	shalt  }
0x65: {  	_ =	shalt  }
0x66: {  	_ =	shalt  }
0x67: {  	_ =	shalt  }
0x68: {  	_ =	shalt  }
0x69: {  	_ =	shalt  }
0x6a: {  	_ =	shalt  }
0x6b: {  	_ =	shalt  }
0x6c: {  	_ =	shalt  }
0x6d: {  	_ =	shalt  }
0x6e: {  	_ =	shalt  }
0x6f: {  	_ =	shalt  }
0x70: {  	_ =	shalt  }
0x71: {  	_ =	shalt  }
0x72: {  	_ =	shalt  }
0x73: {  	_ =	shalt  }
0x74: {  	_ =	shalt  }
0x75: {  	_ =	shalt  }
0x76: {  	_ =	shalt  }
0x77: {  	_ =	shalt  }
0x78: {  	_ =	shalt  }
0x79: {  	_ =	shalt  }
0x7a: {  	_ =	shalt  }
0x7b: {  	_ =	shalt  }
0x7c: {  	_ =	shalt  }
0x7d: {  	_ =	shalt  }
0x7e: {  	_ =	shalt  }
0x7f: {  	_ =	shalt  }
0x80: {  	_ =	shalt  }
0x81: {  	_ =	shalt  }
0x82: {  	_ =	shalt  }
0x83: {  	_ =	shalt  }
0x84: {  	_ =	shalt  }
0x85: {  	_ =	shalt  }
0x86: {  	_ =	shalt  }
0x87: {  	_ =	shalt  }
.Lfunc_end0:
.L_simem_size_0:
called_computation_lowered:
.L_overlay_start_0:
0x88: {  	s2 =	sld [smem:$0x3FD9]  }
0x89: {  	s3 =	sld [smem:$0x3FFE];
	_ =	sdelay $0x1  }
0x8a: {  	s1 =	srdreg.scid  }
0x8b: {  	s0 =	sand.u32 $0x1, s1  }
0x8c: {  	s17 =	sshll.u32 s0, $0xA;
	s2 =	sadd.s32 s3, s2  }
0x8d: {  	s2 =	sadd.s32 s2, s17  }
0x8e: {  	[smem:$0x3FC6] =	sst s2  }
0x8f: {  	_ = 	snop  }
0x90: {  	s2 =	sld [smem:$0x3FD0];
	(tm) =	ssettm $0x1  }
0x91: {  	s18 =	sld [smem:$0x3FFB];
	_ =	sdelay $0x3  }
0x92: {  	_ =	strace s18  }
0x93: {  	s3 =	sld [smem:$0x3FFC];
	_ =	sdelay $0x3  }
0x94: {  	_ =	strace s3  }
0x95: {  	s3 =	sld [smem:$0x3FFD];
	_ =	sdelay $0x3  }
0x96: {  	_ =	strace s3  }
0x97: {  	_ =	strace $0x8FFFFFFF  }
0x98: {  	s19 =	sld [smem:$0x3FDB];
	_ =	sdelay $0x1  }
0x99: {  	s4 =	simm.s32 $_scs_section_size  }
0x9a: {  	s5 =	simm.s32 $_size__tile_overlayer_lowered;
	s6 =	simm.s32 $_tile_overlayer_lowered  }
0x9b: {  	s22 =	simm.s32 $0x1BFF;
	s21 =	sshll.u32 s6, $0x1;
	s3 =	sadd.s32 s4, s19  }
0x9c: {  	s7 =	simm.s32 $0x0;
	s20 =	sshll.u32 s5, $0x1;
	s5 =	sadd.s32 s21, s3  }
0x9d: {  	[timem:s7], [sflag:s22] =	dma.local [hbm:s5], s20  }
0x9e: {  	_ =	swait.ge [sflag:s22], s20  }
0x9f: {  	s4 =	ssub.s32 $0x0, s20;
	[sflag:s22] =	ssyncset.done $0x0  }
0xa0: {  	[sflag:s22] =	ssyncadd.s32 s4;
	_ =	sdelay $0x1  }
0xa1: {  	s23 =	simm.s32 $0x1B8B  }
0xa2: {  	_ =	swait.ge [sflag:s23], $0x1  }
0xa3: {  	[sflag:s23] =	ssyncset.done $0x0  }
0xa4: {  	s25 =	simm.s32 $0x1B8E;
	s24 =	sld [smem:$0x3FFE];
	[sflag:s23] =	ssyncadd.s32 $0xFFFFFFFF  }
0xa5: {  	s26 =	simm.s32 $execute0_lowered;
	[smem:$0x3FD2] =	sst s25  }
0xa6: {  	s5 =	sshll.u32 s26, $0x1;
	_ =	strace $0x80000046;
	[dreg:$0x1] =	wrdreg $0xFFFFFFFF  }
0xa7: {  	s28 =	simm.s32 $_size_execute0_lowered;
	s3 =	sadd.s32 s3, s5;
	[dreg:$0x0] =	wrdreg $0x0  }
0xa8: {  	s5 =	sshll.u32 s28, $0x1;
	[dreg:$0x2] =	wrdreg s3  }
0xa9: {  	[dreg:$0x3] =	wrdreg s5  }
0xaa: {  	[dreg:$0x4] =	wrdreg $0xC0  }
0xab: {  	_ =	task [dreg:s7], $0x5FFFF  }
0xac: {  	[dreg:$0x1] =	wrdreg $0xFFFFFFFF  }
0xad: {  	[dreg:$0x0] =	wrdreg $0x60  }
0xae: {  	[dreg:$0x2] =	wrdreg s24  }
0xaf: {  	[dreg:$0x3] =	wrdreg s2  }
0xb0: {  	[dreg:$0x4] =	wrdreg $0x9  }
0xb1: {  	_ =	task.clear_ibuf [dreg:s7], $0x5FFFF;
	_ =	strace $0x90000046  }
0xb2: {  	s29 =	simm.s32 $0x9;
	_ =	strace $0x80000048  }
0xb3: {  	_ =	swait.ge [sflag:s29], $0x1  }
0xb4: {  	[sflag:s29] =	ssyncadd.s32 $0xFFFFFFFF  }
0xb5: {  	_ =	strace $0x90000048  }
0xb6: {  	_ =	sfence  }
0xb7: {  	s30 =	sld [smem:$0x0];
	_ =	sdelay $0x2  }
0xb8: {  	s31 =	sshll.u32 s1, $0xD;
	s1 =	sshrl.u32 s1, $0x2  }
0xb9: {  	s3 =	sand.u32 $0x4000, s31;
	s1 =	sadd.s32 s1, s30  }
0xba: {  	s0 =	sor.u32 s3, s0;
	s1 =	sshll.u32 s1, $0x11  }
0xbb: {  	s0 =	sor.u32 s1, s0  }
0xbc: {  	s0 =	sadd.s32 $0x8F2B, s0  }
0xbd: {  	[sflag:s0] =	ssyncadd.remote.s32 $0x1  }
0xbe: {  	_ =	sfence.sel $0xFFFF  }
0xbf: {  	[dreg:$0x0] =	wrdreg $0xFFFFFFFF;
	(pc) =	sbr.abs _section_cstart, $3  }
0xc0: {  	[dreg:$0x1] =	wrdreg $0xFFFFFFFF  }
0xc1: {  	_ =	task.clear_ibuf [dreg:s7], $0x2FFFF;
	_ =	strace $0x9FFFFFFF  }
0xc2: {  	(tm) =	ssettm $0x7FFFFFFF  }
0xc3: {  	_ =	shalt  }
tec
execute0_lowered:
.L_overlay_start_1:
0x0: {  	(tag) =	ssettag $0x1  }
0x1: {  	s0 =	rddreg [dreg:$0x0]  }
0x2: {  	s3 =	srdreg.scid;
	s5 =	stileid.u32  }
0x3: {  	s1 =	rddreg [dreg:$0x1];
	s4 =	sand.u32 $0x1, s3;
	s29 =	sshll.u32 s5, $0x1  }
0x4: {  	s2 =	simm.s32 $0x0;
	s10 =	simm.s32 $0x5;
	s5 =	sor.u32 s4, s29  }
0x5: {  	s11 =	simm.s32 $0x1;
	s13 =	simm.s32 $0x2;
	s6 =	smul.u32 $0xC000, s5  }
0x6: {  	[smem:$0x7FF] =	sst s2;
	s4 =	ssub.s32 $0x2, s4;
	s7 =	smul.u32 $0x1800, s5  }
0x7: {  	s3 =	sadd.s32 $0x400, s0;
	s8 =	sshrl.u32 s4, $0x1;
	s5 =	smul.u32 $0x30, s5  }
0x8: {  	s0 =	sadd.s32 $0xF42800, s0;
	_ =	strace $0x80000047;
	s9 =	ssub.s32 s4, s8  }
0x9: {  	s6 =	sshrl.u32 s6, $0x3;
	s4 =	sadd.s32 s0, s7;
	s1 =	sadd.s32 s1, s5  }
0xa: {  	s0 =	sadd.s32 s0, s6;
	[dreg:$0x3] =	wrdreg s1;
	s30 =	sadd.s32 $0x600, s4  }
0xb: {  	s15 =	simm.s32 $0x3;
	[dreg:$0x4] =	wrdreg s30;
	s31 =	sadd.s32 $0xC00, s0  }
0xc: {  	s17 =	simm.s32 $0x4;
	s0 =	sadd.s32 $0x1200, s0;
	[dreg:$0x5] =	wrdreg s31  }
0xd: {  	s19 =	simm.s32 $0x0;
	s9 =	smax.u32 s9, $0x1;
	[dreg:$0x6] =	wrdreg s0  }
.LBB2_1:
0xe: {  	s0 =	rddreg [dreg:$0x3]  }
0xf: {  	[tilespmem:s2], [sflag:$0x5] =	stream.linear.gather [hbm4b:s0+s2], $0x180, $0x38;
	[tilespmem:$0xC180] =	vst v63  }
0x10: {  	_ =	swait.ge [sflag:s10], $0x180  }
0x11: {  	[sflag:s10] =	ssyncset.done $0x0  }
0x12: {  	[sflag:s10] =	ssyncadd.s32 $0xFFFFFE80  }
0x13: {  	v0 =	vld [tilespmem:s2+$0x0];
	_ =	sdelay $0x4  }
0x14: {  	v0 =	vshll.u32 v0, $0x4  }
0x15: {  	(v2sf) =	vpush v0, $0x0  }
0x16: {  	(v2sf) =	vpush v0, $0x1  }
0x17: {  	(v2sf) =	vpush v0, $0x2;
	_ =	sdelay $0x1  }
0x18: {  	(v2sf) =	vpush v0, $0x4;
	_ =	sdelay $0x1  }
0x19: {  	(v2sf) =	vpush v0, $0x3  }
0x1a: {  	(v2sf) =	vpush v0, $0x5  }
0x1b: {  	s22 =	simm.s32 $0x2000;
	s21 =	simm.s32 $0x0;
	s23 =	simm.s32 $0x0;
	(v2sf) =	vpush v0, $0x6  }
.LBB2_2:
0x1c: {  	p0 =	sne.s32 s22, $0xA000  }
0x1d: {  	s12 =	sadd.s32 $0x200, s21;
	s28 =	sadd.s32 $0x700, s21;
	s24 =	smov.u32 s22  }
0x1e: {  	s22 =	sadd.s32 $0x2000, s22;
	s31 =	sadd.s32 $0x500, s21;
	s25 =	sadd.s32 $0x780, s21;
	(v2sf) =	vpush v0, $0x7  }
0x1f: {  	s1 =	sadd.s32 $0x400, s21;
	s29 =	sadd.s32 $0x580, s21;
	s26 =	sadd.s32 $0x800, s21  }
0x20: {  	s14 =	sadd.s32 $0x180, s21;
	s16 =	sadd.s32 $0x380, s21;
	(v2sf) =	vpush v0, $0x8  }
0x21: {  	s20 =	simm.s32 $0x0;
	s18 =	sadd.s32 $0x480, s21;
	s23 =	sadd.s32 $0x10, s23  }
0x22: {  	s5 =	sadd.s32 $0x280, s21;
	s30 =	sadd.s32 $0x680, s21;
	s0 =	spop (v2sf);
	(v2sf) =	vpush v0, $0x9  }
0x23: {  	s6 =	sand.u32 $0x1FFFFFF0, s0;
	s0 =	sadd.s32 $0x600, s21;
	s7 =	spop (v2sf)  }
0x24: {  	s6 =	sadd.s32 s3, s6;
	s7 =	sand.u32 $0x1FFFFFF0, s7;
	s8 =	spop (v2sf);
	(v2sf) =	vpush v0, $0xA  }
0x25: {  	[tilespmem:s14], [sflag:$0x1] =	stream.linear.gather [hbm4b:s6+s20], $0x80, $0x38;
	[tilespmem:$0xC180] =	vst v63  }
0x26: {  	s6 =	sadd.s32 s3, s7;
	s7 =	sadd.s32 $0x300, s21;
	s14 =	spop (v2sf);
	(v2sf) =	vpush v0, $0xB  }
0x27: {  	[tilespmem:s12], [sflag:$0x1] =	stream.linear.gather [hbm4b:s6+s20], $0x80, $0x38;
	[tilespmem:$0xC180] =	vst v63  }
0x28: {  	s6 =	sand.u32 $0x1FFFFFF0, s8;
	s8 =	sand.u32 $0x1FFFFFF0, s14;
	s12 =	spop (v2sf);
	(v2sf) =	vpush v0, $0xC  }
0x29: {  	s6 =	sadd.s32 s3, s6;
	s12 =	sand.u32 $0x1FFFFFF0, s12;
	s14 =	spop (v2sf)  }
0x2a: {  	[tilespmem:s5], [sflag:$0x1] =	stream.linear.gather [hbm4b:s6+s20], $0x80, $0x38;
	(v2sf) =	vpush v0, $0xD;
	[tilespmem:$0xC180] =	vst v63  }
0x2b: {  	s5 =	sadd.s32 s3, s12;
	s6 =	sand.u32 $0x1FFFFFF0, s14;
	s12 =	spop (v2sf)  }
0x2c: {  	[tilespmem:s7], [sflag:$0x1] =	stream.linear.gather [hbm4b:s5+s20], $0x80, $0x38;
	(v2sf) =	vpush v0, $0xE;
	[tilespmem:$0xC180] =	vst v63  }
0x2d: {  	s5 =	sadd.s32 s3, s8;
	s7 =	sand.u32 $0x1FFFFFF0, s12;
	s8 =	spop (v2sf)  }
0x2e: {  	[tilespmem:s16], [sflag:$0x1] =	stream.linear.gather [hbm4b:s5+s20], $0x80, $0x38;
	(v2sf) =	vpush v0, $0xF;
	[tilespmem:$0xC180] =	vst v63  }
0x2f: {  	s5 =	sadd.s32 s3, s6;
	s6 =	sand.u32 $0x1FFFFFF0, s8;
	s8 =	spop (v2sf)  }
0x30: {  	[tilespmem:s1], [sflag:$0x1] =	stream.linear.gather [hbm4b:s5+s20], $0x80, $0x38;
	[tilespmem:$0xC180] =	vst v63  }
0x31: {  	s1 =	sadd.s32 s3, s7;
	s5 =	sand.u32 $0x1FFFFFF0, s8;
	s7 =	spop (v2sf)  }
0x32: {  	[tilespmem:s18], [sflag:$0x1] =	stream.linear.gather [hbm4b:s1+s20], $0x80, $0x38;
	[tilespmem:$0xC180] =	vst v63  }
0x33: {  	s1 =	sadd.s32 s3, s6;
	s6 =	sand.u32 $0x1FFFFFF0, s7;
	s7 =	spop (v2sf)  }
0x34: {  	[tilespmem:s31], [sflag:$0x1] =	stream.linear.gather [hbm4b:s1+s20], $0x80, $0x38;
	[tilespmem:$0xC180] =	vst v63  }
0x35: {  	s1 =	sadd.s32 s3, s5;
	s5 =	sand.u32 $0x1FFFFFF0, s7;
	s7 =	spop (v2sf)  }
0x36: {  	[tilespmem:s29], [sflag:$0x1] =	stream.linear.gather [hbm4b:s1+s20], $0x80, $0x38;
	[tilespmem:$0xC180] =	vst v63  }
0x37: {  	s1 =	sadd.s32 s3, s6;
	s6 =	sand.u32 $0x1FFFFFF0, s7;
	s7 =	spop (v2sf)  }
0x38: {  	[tilespmem:s0], [sflag:$0x1] =	stream.linear.gather [hbm4b:s1+s20], $0x80, $0x38;
	[tilespmem:$0xC180] =	vst v63  }
0x39: {  	s0 =	sadd.s32 s3, s5;
	s1 =	sand.u32 $0x1FFFFFF0, s7;
	s5 =	spop (v2sf)  }
0x3a: {  	[tilespmem:s30], [sflag:$0x1] =	stream.linear.gather [hbm4b:s0+s20], $0x80, $0x38;
	[tilespmem:$0xC180] =	vst v63  }
0x3b: {  	s0 =	sadd.s32 s3, s6;
	s5 =	sand.u32 $0x1FFFFFF0, s5;
	s6 =	spop (v2sf)  }
0x3c: {  	[tilespmem:s28], [sflag:$0x1] =	stream.linear.gather [hbm4b:s0+s20], $0x80, $0x38;
	[tilespmem:$0xC180] =	vst v63  }
0x3d: {  	s0 =	sadd.s32 s3, s1;
	s1 =	sand.u32 $0x1FFFFFF0, s6;
	s6 =	spop (v2sf)  }
0x3e: {  	[tilespmem:s25], [sflag:$0x1] =	stream.linear.gather [hbm4b:s0+s20], $0x80, $0x38;
	[tilespmem:$0xC180] =	vst v63  }
0x3f: {  	s0 =	sadd.s32 s3, s5;
	s5 =	sand.u32 $0x1FFFFFF0, s6  }
0x40: {  	[tilespmem:s26], [sflag:$0x1] =	stream.linear.gather [hbm4b:s0+s20], $0x80, $0x38;
	[tilespmem:$0xC180] =	vst v63  }
0x41: {  	s1 =	sadd.s32 s3, s1;
	s0 =	sadd.s32 $0x880, s21  }
0x42: {  	[tilespmem:s0], [sflag:$0x1] =	stream.linear.gather [hbm4b:s1+s20], $0x80, $0x38;
	[tilespmem:$0xC180] =	vst v63  }
0x43: {  	s0 =	sadd.s32 $0x900, s21;
	s1 =	sadd.s32 s3, s5  }
0x44: {  	[tilespmem:s0], [sflag:$0x1] =	stream.linear.gather [hbm4b:s1+s20], $0x80, $0x38;
	[tilespmem:$0xC180] =	vst v63  }
0x45: {  	v0 =	vld [tilespmem:s23+$0x0];
	_ =	sdelay $0x4  }
0x46: {  	v0 =	vshll.u32 v0, $0x4  }
0x47: {  	(v2sf) =	vpush v0, $0x0  }
0x48: {  	(v2sf) =	vpush v0, $0x1  }
0x49: {  	(v2sf) =	vpush v0, $0x2;
	_ =	sdelay $0x1  }
0x4a: {  	(v2sf) =	vpush v0, $0x4  }
.Ltmp0:
0x4b: {  	(pc) =	sbr.rel @p0 .LBB2_2-.Ltmp0, $3  }
0x4c: {  	(v2sf) =	vpush v0, $0x3  }
0x4d: {  	(v2sf) =	vpush v0, $0x5;
	_ =	sdelay $0x1  }
0x4e: {  	s21 =	sshra.s32 s24, $0x2;
	(v2sf) =	vpush v0, $0x6  }
0x4f: {  	_ =	sdelay $0x1  }
0x50: {  	s0 =	sadd.s32 $0x200, s21;
	s24 =	sadd.s32 $0x700, s21  }
0x51: {  	s1 =	sadd.s32 $0x500, s21;
	s22 =	sadd.s32 $0x780, s21;
	(v2sf) =	vpush v0, $0x7;
	s5 =	sadd.s32 $0x400, s21  }
0x52: {  	s6 =	sadd.s32 $0x580, s21;
	s23 =	sadd.s32 $0x800, s21;
	s7 =	sadd.s32 $0x180, s21  }
0x53: {  	s8 =	sadd.s32 $0x380, s21;
	s12 =	sadd.s32 $0x480, s21;
	(v2sf) =	vpush v0, $0x8;
	s14 =	spop (v2sf)  }
0x54: {  	s16 =	sadd.s32 $0x280, s21;
	s14 =	sand.u32 $0x1FFFFFF0, s14;
	s18 =	spop (v2sf)  }
0x55: {  	(v2sf) =	vpush v0, $0x9;
	s14 =	sadd.s32 s3, s14;
	s18 =	sand.u32 $0x1FFFFFF0, s18;
	s25 =	spop (v2sf)  }
0x56: {  	[tilespmem:s7], [sflag:$0x1] =	stream.linear.gather [hbm4b:s14+s20], $0x80, $0x38;
	[tilespmem:$0xC180] =	vst v63  }
0x57: {  	(v2sf) =	vpush v0, $0xA;
	s26 =	sadd.s32 s3, s18;
	s29 =	sand.u32 $0x1FFFFFF0, s25;
	s28 =	spop (v2sf)  }
0x58: {  	[tilespmem:s0], [sflag:$0x1] =	stream.linear.gather [hbm4b:s26+s20], $0x80, $0x38;
	[tilespmem:$0xC180] =	vst v63  }
0x59: {  	s7 =	sadd.s32 $0x680, s21;
	(v2sf) =	vpush v0, $0xB;
	s14 =	sadd.s32 s3, s29;
	s30 =	spop (v2sf)  }
0x5a: {  	s0 =	sadd.s32 $0x600, s21;
	s26 =	sadd.s32 $0x300, s21;
	s25 =	sand.u32 $0x1FFFFFF0, s30  }
0x5b: {  	(v2sf) =	vpush v0, $0xC;
	[tilespmem:s16], [sflag:$0x1] =	stream.linear.gather [hbm4b:s14+s20], $0x80, $0x38;
	[tilespmem:$0xC180] =	vst v63  }
0x5c: {  	s31 =	sand.u32 $0x1FFFFFF0, s28;
	s28 =	spop (v2sf);
	s29 =	sadd.s32 s3, s25  }
0x5d: {  	(v2sf) =	vpush v0, $0xD;
	[tilespmem:s26], [sflag:$0x1] =	stream.linear.gather [hbm4b:s29+s20], $0x80, $0x38;
	[tilespmem:$0xC180] =	vst v63  }
0x5e: {  	s14 =	sadd.s32 s3, s31;
	s16 =	sand.u32 $0x1FFFFFF0, s28;
	s30 =	spop (v2sf)  }
0x5f: {  	(v2sf) =	vpush v0, $0xE;
	[tilespmem:s8], [sflag:$0x1] =	stream.linear.gather [hbm4b:s14+s20], $0x80, $0x38;
	[tilespmem:$0xC180] =	vst v63  }
0x60: {  	s16 =	sadd.s32 s3, s16;
	s31 =	sand.u32 $0x1FFFFFF0, s30;
	s18 =	spop (v2sf)  }
0x61: {  	(v2sf) =	vpush v0, $0xF;
	[tilespmem:s5], [sflag:$0x1] =	stream.linear.gather [hbm4b:s16+s20], $0x80, $0x38;
	[tilespmem:$0xC180] =	vst v63  }
0x62: {  	s25 =	sand.u32 $0x1FFFFFF0, s18;
	s26 =	spop (v2sf);
	s8 =	sadd.s32 s3, s31  }
0x63: {  	[tilespmem:s12], [sflag:$0x1] =	stream.linear.gather [hbm4b:s8+s20], $0x80, $0x38;
	[tilespmem:$0xC180] =	vst v63  }
0x64: {  	s28 =	sand.u32 $0x1FFFFFF0, s26;
	s5 =	sadd.s32 s3, s25;
	s29 =	spop (v2sf)  }
0x65: {  	[tilespmem:s1], [sflag:$0x1] =	stream.linear.gather [hbm4b:s5+s20], $0x80, $0x38;
	[tilespmem:$0xC180] =	vst v63  }
0x66: {  	s8 =	sadd.s32 s3, s28;
	s30 =	sand.u32 $0x1FFFFFF0, s29;
	s31 =	spop (v2sf)  }
0x67: {  	[tilespmem:s6], [sflag:$0x1] =	stream.linear.gather [hbm4b:s8+s20], $0x80, $0x38;
	[tilespmem:$0xC180] =	vst v63  }
0x68: {  	s5 =	sand.u32 $0x1FFFFFF0, s31;
	s1 =	sadd.s32 s3, s30;
	s12 =	spop (v2sf)  }
0x69: {  	[tilespmem:s0], [sflag:$0x1] =	stream.linear.gather [hbm4b:s1+s20], $0x80, $0x38;
	[tilespmem:$0xC180] =	vst v63  }
0x6a: {  	s5 =	sadd.s32 s3, s5;
	s14 =	sand.u32 $0x1FFFFFF0, s12;
	s16 =	spop (v2sf)  }
0x6b: {  	[tilespmem:s7], [sflag:$0x1] =	stream.linear.gather [hbm4b:s5+s20], $0x80, $0x38;
	[tilespmem:$0xC180] =	vst v63  }
0x6c: {  	s0 =	sadd.s32 s3, s14;
	s1 =	sand.u32 $0x1FFFFFF0, s16;
	s18 =	spop (v2sf)  }
0x6d: {  	[tilespmem:s24], [sflag:$0x1] =	stream.linear.gather [hbm4b:s0+s20], $0x80, $0x38;
	[tilespmem:$0xC180] =	vst v63  }
0x6e: {  	s1 =	sadd.s32 s3, s1;
	s25 =	spop (v2sf);
	s24 =	sand.u32 $0x1FFFFFF0, s18  }
0x6f: {  	[tilespmem:s22], [sflag:$0x1] =	stream.linear.gather [hbm4b:s1+s20], $0x80, $0x38;
	[tilespmem:$0xC180] =	vst v63  }
0x70: {  	s26 =	sand.u32 $0x1FFFFFF0, s25;
	s28 =	spop (v2sf);
	s0 =	sadd.s32 s3, s24  }
0x71: {  	[tilespmem:s23], [sflag:$0x1] =	stream.linear.gather [hbm4b:s0+s20], $0x80, $0x38;
	[tilespmem:$0xC180] =	vst v63  }
0x72: {  	s30 =	sadd.s32 $0x880, s21;
	s29 =	sand.u32 $0x1FFFFFF0, s28;
	s1 =	sadd.s32 s3, s26  }
0x73: {  	[tilespmem:s30], [sflag:$0x1] =	stream.linear.gather [hbm4b:s1+s20], $0x80, $0x38;
	[tilespmem:$0xC180] =	vst v63  }
0x74: {  	s31 =	sadd.s32 $0x900, s21;
	s22 =	simm.s32 $0x60;
	s0 =	sadd.s32 s3, s29  }
0x75: {  	[tilespmem:s31], [sflag:$0x1] =	stream.linear.gather [hbm4b:s0+s20], $0x80, $0x38;
	[tilespmem:$0xC180] =	vst v63  }
0x76: {  	v0 =	vld [tilespmem:s22+$0x0];
	_ =	sdelay $0x4  }
0x77: {  	v0 =	vshll.u32 v0, $0x4  }
0x78: {  	(v2sf) =	vpush v0, $0x0  }
0x79: {  	(v2sf) =	vpush v0, $0x1  }
0x7a: {  	(v2sf) =	vpush v0, $0x2;
	_ =	sdelay $0x1  }
0x7b: {  	(v2sf) =	vpush v0, $0x4;
	_ =	sdelay $0x1  }
0x7c: {  	(v2sf) =	vpush v0, $0x3  }
0x7d: {  	(v2sf) =	vpush v0, $0x5  }
0x7e: {  	s21 =	simm.s32 $0x0;
	s23 =	simm.s32 $0x2000;
	(v2sf) =	vpush v0, $0x6  }
.LBB2_4:
0x7f: {  	p0 =	sne.s32 s23, $0xA000  }
0x80: {  	s5 =	sadd.s32 $0x3200, s21;
	s28 =	sadd.s32 $0x3700, s21;
	s24 =	smov.u32 s23  }
0x81: {  	s23 =	sadd.s32 $0x2000, s23;
	s31 =	sadd.s32 $0x3500, s21;
	s25 =	sadd.s32 $0x3780, s21;
	(v2sf) =	vpush v0, $0x7  }
0x82: {  	s1 =	sadd.s32 $0x3400, s21;
	s30 =	sadd.s32 $0x3580, s21;
	s26 =	sadd.s32 $0x3800, s21  }
0x83: {  	s6 =	sadd.s32 $0x3180, s21;
	s7 =	sadd.s32 $0x3380, s21;
	(v2sf) =	vpush v0, $0x8  }
0x84: {  	s8 =	sadd.s32 $0x3480, s21;
	s22 =	sadd.s32 $0x10, s22  }
0x85: {  	s12 =	sadd.s32 $0x3280, s21;
	s29 =	sadd.s32 $0x3680, s21;
	s0 =	spop (v2sf);
	(v2sf) =	vpush v0, $0x9  }
0x86: {  	s14 =	sand.u32 $0x1FFFFFF0, s0;
	s0 =	sadd.s32 $0x3600, s21;
	s16 =	spop (v2sf)  }
0x87: {  	s14 =	sadd.s32 s3, s14;
	s16 =	sand.u32 $0x1FFFFFF0, s16;
	s18 =	spop (v2sf);
	(v2sf) =	vpush v0, $0xA  }
0x88: {  	[tilespmem:s6], [sflag:$0x2] =	stream.linear.gather [hbm4b:s14+s20], $0x80, $0x38;
	[tilespmem:$0xC180] =	vst v63  }
0x89: {  	s6 =	sadd.s32 s3, s16;
	s14 =	sadd.s32 $0x3300, s21;
	s16 =	spop (v2sf);
	(v2sf) =	vpush v0, $0xB  }
0x8a: {  	[tilespmem:s5], [sflag:$0x2] =	stream.linear.gather [hbm4b:s6+s20], $0x80, $0x38;
	[tilespmem:$0xC180] =	vst v63  }
0x8b: {  	s5 =	sand.u32 $0x1FFFFFF0, s18;
	s6 =	sand.u32 $0x1FFFFFF0, s16;
	s16 =	spop (v2sf);
	(v2sf) =	vpush v0, $0xC  }
0x8c: {  	s5 =	sadd.s32 s3, s5;
	s16 =	sand.u32 $0x1FFFFFF0, s16;
	s18 =	spop (v2sf)  }
0x8d: {  	[tilespmem:s12], [sflag:$0x2] =	stream.linear.gather [hbm4b:s5+s20], $0x80, $0x38;
	(v2sf) =	vpush v0, $0xD;
	[tilespmem:$0xC180] =	vst v63  }
0x8e: {  	s5 =	sadd.s32 s3, s16;
	s12 =	sand.u32 $0x1FFFFFF0, s18;
	s16 =	spop (v2sf)  }
0x8f: {  	[tilespmem:s14], [sflag:$0x2] =	stream.linear.gather [hbm4b:s5+s20], $0x80, $0x38;
	(v2sf) =	vpush v0, $0xE;
	[tilespmem:$0xC180] =	vst v63  }
0x90: {  	s5 =	sadd.s32 s3, s6;
	s6 =	sand.u32 $0x1FFFFFF0, s16;
	s14 =	spop (v2sf)  }
0x91: {  	[tilespmem:s7], [sflag:$0x2] =	stream.linear.gather [hbm4b:s5+s20], $0x80, $0x38;
	(v2sf) =	vpush v0, $0xF;
	[tilespmem:$0xC180] =	vst v63  }
0x92: {  	s5 =	sadd.s32 s3, s12;
	s7 =	sand.u32 $0x1FFFFFF0, s14;
	s12 =	spop (v2sf)  }
0x93: {  	[tilespmem:s1], [sflag:$0x2] =	stream.linear.gather [hbm4b:s5+s20], $0x80, $0x38;
	[tilespmem:$0xC180] =	vst v63  }
0x94: {  	s1 =	sadd.s32 s3, s6;
	s5 =	sand.u32 $0x1FFFFFF0, s12;
	s6 =	spop (v2sf)  }
0x95: {  	[tilespmem:s8], [sflag:$0x2] =	stream.linear.gather [hbm4b:s1+s20], $0x80, $0x38;
	[tilespmem:$0xC180] =	vst v63  }
0x96: {  	s1 =	sadd.s32 s3, s7;
	s6 =	sand.u32 $0x1FFFFFF0, s6;
	s7 =	spop (v2sf)  }
0x97: {  	[tilespmem:s31], [sflag:$0x2] =	stream.linear.gather [hbm4b:s1+s20], $0x80, $0x38;
	[tilespmem:$0xC180] =	vst v63  }
0x98: {  	s1 =	sadd.s32 s3, s5;
	s5 =	sand.u32 $0x1FFFFFF0, s7;
	s7 =	spop (v2sf)  }
0x99: {  	[tilespmem:s30], [sflag:$0x2] =	stream.linear.gather [hbm4b:s1+s20], $0x80, $0x38;
	[tilespmem:$0xC180] =	vst v63  }
0x9a: {  	s1 =	sadd.s32 s3, s6;
	s6 =	sand.u32 $0x1FFFFFF0, s7;
	s7 =	spop (v2sf)  }
0x9b: {  	[tilespmem:s0], [sflag:$0x2] =	stream.linear.gather [hbm4b:s1+s20], $0x80, $0x38;
	[tilespmem:$0xC180] =	vst v63  }
0x9c: {  	s0 =	sadd.s32 s3, s5;
	s1 =	sand.u32 $0x1FFFFFF0, s7;
	s5 =	spop (v2sf)  }
0x9d: {  	[tilespmem:s29], [sflag:$0x2] =	stream.linear.gather [hbm4b:s0+s20], $0x80, $0x38;
	[tilespmem:$0xC180] =	vst v63  }
0x9e: {  	s0 =	sadd.s32 s3, s6;
	s5 =	sand.u32 $0x1FFFFFF0, s5;
	s6 =	spop (v2sf)  }
0x9f: {  	[tilespmem:s28], [sflag:$0x2] =	stream.linear.gather [hbm4b:s0+s20], $0x80, $0x38;
	[tilespmem:$0xC180] =	vst v63  }
0xa0: {  	s0 =	sadd.s32 s3, s1;
	s1 =	sand.u32 $0x1FFFFFF0, s6;
	s6 =	spop (v2sf)  }
0xa1: {  	[tilespmem:s25], [sflag:$0x2] =	stream.linear.gather [hbm4b:s0+s20], $0x80, $0x38;
	[tilespmem:$0xC180] =	vst v63  }
0xa2: {  	s0 =	sadd.s32 s3, s5;
	s5 =	sand.u32 $0x1FFFFFF0, s6  }
0xa3: {  	[tilespmem:s26], [sflag:$0x2] =	stream.linear.gather [hbm4b:s0+s20], $0x80, $0x38;
	[tilespmem:$0xC180] =	vst v63  }
0xa4: {  	s1 =	sadd.s32 s3, s1;
	s0 =	sadd.s32 $0x3880, s21  }
0xa5: {  	[tilespmem:s0], [sflag:$0x2] =	stream.linear.gather [hbm4b:s1+s20], $0x80, $0x38;
	[tilespmem:$0xC180] =	vst v63  }
0xa6: {  	s0 =	sadd.s32 $0x3900, s21;
	s1 =	sadd.s32 s3, s5  }
0xa7: {  	[tilespmem:s0], [sflag:$0x2] =	stream.linear.gather [hbm4b:s1+s20], $0x80, $0x38;
	[tilespmem:$0xC180] =	vst v63  }
0xa8: {  	v0 =	vld [tilespmem:s22+$0x0];
	_ =	sdelay $0x4  }
0xa9: {  	v0 =	vshll.u32 v0, $0x4  }
0xaa: {  	(v2sf) =	vpush v0, $0x0  }
0xab: {  	(v2sf) =	vpush v0, $0x1  }
0xac: {  	(v2sf) =	vpush v0, $0x2;
	_ =	sdelay $0x1  }
0xad: {  	(v2sf) =	vpush v0, $0x4  }
.Ltmp1:
0xae: {  	(pc) =	sbr.rel @p0 .LBB2_4-.Ltmp1, $3  }
0xaf: {  	(v2sf) =	vpush v0, $0x3  }
0xb0: {  	(v2sf) =	vpush v0, $0x5;
	_ =	sdelay $0x1  }
0xb1: {  	s21 =	sshra.s32 s24, $0x2;
	(v2sf) =	vpush v0, $0x6  }
0xb2: {  	_ =	sdelay $0x1  }
0xb3: {  	s0 =	sadd.s32 $0x3200, s21;
	s24 =	sadd.s32 $0x3700, s21  }
0xb4: {  	s1 =	sadd.s32 $0x3500, s21;
	s22 =	sadd.s32 $0x3780, s21;
	(v2sf) =	vpush v0, $0x7;
	s5 =	sadd.s32 $0x3400, s21  }
0xb5: {  	s6 =	sadd.s32 $0x3580, s21;
	s23 =	sadd.s32 $0x3800, s21;
	s7 =	sadd.s32 $0x3180, s21  }
0xb6: {  	s8 =	sadd.s32 $0x3380, s21;
	s12 =	sadd.s32 $0x3480, s21;
	(v2sf) =	vpush v0, $0x8;
	s14 =	spop (v2sf)  }
0xb7: {  	s16 =	sadd.s32 $0x3280, s21;
	s14 =	sand.u32 $0x1FFFFFF0, s14;
	s18 =	spop (v2sf)  }
0xb8: {  	(v2sf) =	vpush v0, $0x9;
	s14 =	sadd.s32 s3, s14;
	s18 =	sand.u32 $0x1FFFFFF0, s18;
	s25 =	spop (v2sf)  }
0xb9: {  	[tilespmem:s7], [sflag:$0x2] =	stream.linear.gather [hbm4b:s14+s20], $0x80, $0x38;
	[tilespmem:$0xC180] =	vst v63  }
0xba: {  	(v2sf) =	vpush v0, $0xA;
	s26 =	sadd.s32 s3, s18;
	s29 =	sand.u32 $0x1FFFFFF0, s25;
	s28 =	spop (v2sf)  }
0xbb: {  	[tilespmem:s0], [sflag:$0x2] =	stream.linear.gather [hbm4b:s26+s20], $0x80, $0x38;
	[tilespmem:$0xC180] =	vst v63  }
0xbc: {  	s7 =	sadd.s32 $0x3680, s21;
	(v2sf) =	vpush v0, $0xB;
	s14 =	sadd.s32 s3, s29;
	s30 =	spop (v2sf)  }
0xbd: {  	s0 =	sadd.s32 $0x3600, s21;
	s26 =	sadd.s32 $0x3300, s21;
	s25 =	sand.u32 $0x1FFFFFF0, s30  }
0xbe: {  	(v2sf) =	vpush v0, $0xC;
	[tilespmem:s16], [sflag:$0x2] =	stream.linear.gather [hbm4b:s14+s20], $0x80, $0x38;
	[tilespmem:$0xC180] =	vst v63  }
0xbf: {  	s31 =	sand.u32 $0x1FFFFFF0, s28;
	s28 =	spop (v2sf);
	s29 =	sadd.s32 s3, s25  }
0xc0: {  	(v2sf) =	vpush v0, $0xD;
	[tilespmem:s26], [sflag:$0x2] =	stream.linear.gather [hbm4b:s29+s20], $0x80, $0x38;
	[tilespmem:$0xC180] =	vst v63  }
0xc1: {  	s14 =	sadd.s32 s3, s31;
	s16 =	sand.u32 $0x1FFFFFF0, s28;
	s30 =	spop (v2sf)  }
0xc2: {  	(v2sf) =	vpush v0, $0xE;
	[tilespmem:s8], [sflag:$0x2] =	stream.linear.gather [hbm4b:s14+s20], $0x80, $0x38;
	[tilespmem:$0xC180] =	vst v63  }
0xc3: {  	s16 =	sadd.s32 s3, s16;
	s31 =	sand.u32 $0x1FFFFFF0, s30;
	s18 =	spop (v2sf)  }
0xc4: {  	(v2sf) =	vpush v0, $0xF;
	[tilespmem:s5], [sflag:$0x2] =	stream.linear.gather [hbm4b:s16+s20], $0x80, $0x38;
	[tilespmem:$0xC180] =	vst v63  }
0xc5: {  	s25 =	sand.u32 $0x1FFFFFF0, s18;
	s26 =	spop (v2sf);
	s8 =	sadd.s32 s3, s31  }
0xc6: {  	[tilespmem:s12], [sflag:$0x2] =	stream.linear.gather [hbm4b:s8+s20], $0x80, $0x38;
	[tilespmem:$0xC180] =	vst v63  }
0xc7: {  	s28 =	sand.u32 $0x1FFFFFF0, s26;
	s5 =	sadd.s32 s3, s25;
	s29 =	spop (v2sf)  }
0xc8: {  	[tilespmem:s1], [sflag:$0x2] =	stream.linear.gather [hbm4b:s5+s20], $0x80, $0x38;
	[tilespmem:$0xC180] =	vst v63  }
0xc9: {  	s8 =	sadd.s32 s3, s28;
	s30 =	sand.u32 $0x1FFFFFF0, s29;
	s31 =	spop (v2sf)  }
0xca: {  	[tilespmem:s6], [sflag:$0x2] =	stream.linear.gather [hbm4b:s8+s20], $0x80, $0x38;
	[tilespmem:$0xC180] =	vst v63  }
0xcb: {  	s5 =	sand.u32 $0x1FFFFFF0, s31;
	s1 =	sadd.s32 s3, s30;
	s12 =	spop (v2sf)  }
0xcc: {  	[tilespmem:s0], [sflag:$0x2] =	stream.linear.gather [hbm4b:s1+s20], $0x80, $0x38;
	[tilespmem:$0xC180] =	vst v63  }
0xcd: {  	s5 =	sadd.s32 s3, s5;
	s14 =	sand.u32 $0x1FFFFFF0, s12;
	s16 =	spop (v2sf)  }
0xce: {  	[tilespmem:s7], [sflag:$0x2] =	stream.linear.gather [hbm4b:s5+s20], $0x80, $0x38;
	[tilespmem:$0xC180] =	vst v63  }
0xcf: {  	s0 =	sadd.s32 s3, s14;
	s1 =	sand.u32 $0x1FFFFFF0, s16;
	s18 =	spop (v2sf)  }
0xd0: {  	[tilespmem:s24], [sflag:$0x2] =	stream.linear.gather [hbm4b:s0+s20], $0x80, $0x38;
	[tilespmem:$0xC180] =	vst v63  }
0xd1: {  	s1 =	sadd.s32 s3, s1;
	s25 =	spop (v2sf);
	s24 =	sand.u32 $0x1FFFFFF0, s18  }
0xd2: {  	[tilespmem:s22], [sflag:$0x2] =	stream.linear.gather [hbm4b:s1+s20], $0x80, $0x38;
	[tilespmem:$0xC180] =	vst v63  }
0xd3: {  	s26 =	sand.u32 $0x1FFFFFF0, s25;
	s28 =	spop (v2sf);
	s0 =	sadd.s32 s3, s24  }
0xd4: {  	[tilespmem:s23], [sflag:$0x2] =	stream.linear.gather [hbm4b:s0+s20], $0x80, $0x38;
	[tilespmem:$0xC180] =	vst v63  }
0xd5: {  	s30 =	sadd.s32 $0x3880, s21;
	s29 =	sand.u32 $0x1FFFFFF0, s28;
	s1 =	sadd.s32 s3, s26  }
0xd6: {  	[tilespmem:s30], [sflag:$0x2] =	stream.linear.gather [hbm4b:s1+s20], $0x80, $0x38;
	[tilespmem:$0xC180] =	vst v63  }
0xd7: {  	s31 =	sadd.s32 $0x3900, s21;
	s22 =	simm.s32 $0xC0;
	s0 =	sadd.s32 s3, s29  }
0xd8: {  	[tilespmem:s31], [sflag:$0x2] =	stream.linear.gather [hbm4b:s0+s20], $0x80, $0x38;
	[tilespmem:$0xC180] =	vst v63  }
0xd9: {  	v0 =	vld [tilespmem:s22+$0x0];
	_ =	sdelay $0x4  }
0xda: {  	v0 =	vshll.u32 v0, $0x4  }
0xdb: {  	(v2sf) =	vpush v0, $0x0  }
0xdc: {  	(v2sf) =	vpush v0, $0x1  }
0xdd: {  	(v2sf) =	vpush v0, $0x2;
	_ =	sdelay $0x1  }
0xde: {  	(v2sf) =	vpush v0, $0x4;
	_ =	sdelay $0x1  }
0xdf: {  	(v2sf) =	vpush v0, $0x3  }
0xe0: {  	(v2sf) =	vpush v0, $0x5  }
0xe1: {  	s21 =	simm.s32 $0x0;
	s23 =	simm.s32 $0x2000;
	(v2sf) =	vpush v0, $0x6  }
.LBB2_6:
0xe2: {  	p0 =	sne.s32 s23, $0xA000  }
0xe3: {  	s5 =	sadd.s32 $0x6200, s21;
	s28 =	sadd.s32 $0x6700, s21;
	s24 =	smov.u32 s23  }
0xe4: {  	s23 =	sadd.s32 $0x2000, s23;
	s31 =	sadd.s32 $0x6500, s21;
	s25 =	sadd.s32 $0x6780, s21;
	(v2sf) =	vpush v0, $0x7  }
0xe5: {  	s1 =	sadd.s32 $0x6400, s21;
	s29 =	sadd.s32 $0x6580, s21;
	s26 =	sadd.s32 $0x6800, s21  }
0xe6: {  	s6 =	sadd.s32 $0x6180, s21;
	s7 =	sadd.s32 $0x6380, s21;
	(v2sf) =	vpush v0, $0x8  }
0xe7: {  	s20 =	simm.s32 $0x0;
	s8 =	sadd.s32 $0x6480, s21;
	s22 =	sadd.s32 $0x10, s22  }
0xe8: {  	s12 =	sadd.s32 $0x6280, s21;
	s30 =	sadd.s32 $0x6680, s21;
	s0 =	spop (v2sf);
	(v2sf) =	vpush v0, $0x9  }
0xe9: {  	s14 =	sand.u32 $0x1FFFFFF0, s0;
	s0 =	sadd.s32 $0x6600, s21;
	s16 =	spop (v2sf)  }
0xea: {  	s14 =	sadd.s32 s3, s14;
	s16 =	sand.u32 $0x1FFFFFF0, s16;
	s18 =	spop (v2sf);
	(v2sf) =	vpush v0, $0xA  }
0xeb: {  	[tilespmem:s6], [sflag:$0x3] =	stream.linear.gather [hbm4b:s14+s20], $0x80, $0x38;
	[tilespmem:$0xC180] =	vst v63  }
0xec: {  	s6 =	sadd.s32 s3, s16;
	s14 =	sadd.s32 $0x6300, s21;
	s16 =	spop (v2sf);
	(v2sf) =	vpush v0, $0xB  }
0xed: {  	[tilespmem:s5], [sflag:$0x3] =	stream.linear.gather [hbm4b:s6+s20], $0x80, $0x38;
	[tilespmem:$0xC180] =	vst v63  }
0xee: {  	s5 =	sand.u32 $0x1FFFFFF0, s18;
	s6 =	sand.u32 $0x1FFFFFF0, s16;
	s16 =	spop (v2sf);
	(v2sf) =	vpush v0, $0xC  }
0xef: {  	s5 =	sadd.s32 s3, s5;
	s16 =	sand.u32 $0x1FFFFFF0, s16;
	s18 =	spop (v2sf)  }
0xf0: {  	[tilespmem:s12], [sflag:$0x3] =	stream.linear.gather [hbm4b:s5+s20], $0x80, $0x38;
	(v2sf) =	vpush v0, $0xD;
	[tilespmem:$0xC180] =	vst v63  }
0xf1: {  	s5 =	sadd.s32 s3, s16;
	s12 =	sand.u32 $0x1FFFFFF0, s18;
	s16 =	spop (v2sf)  }
0xf2: {  	[tilespmem:s14], [sflag:$0x3] =	stream.linear.gather [hbm4b:s5+s20], $0x80, $0x38;
	(v2sf) =	vpush v0, $0xE;
	[tilespmem:$0xC180] =	vst v63  }
0xf3: {  	s5 =	sadd.s32 s3, s6;
	s6 =	sand.u32 $0x1FFFFFF0, s16;
	s14 =	spop (v2sf)  }
0xf4: {  	[tilespmem:s7], [sflag:$0x3] =	stream.linear.gather [hbm4b:s5+s20], $0x80, $0x38;
	(v2sf) =	vpush v0, $0xF;
	[tilespmem:$0xC180] =	vst v63  }
0xf5: {  	s5 =	sadd.s32 s3, s12;
	s7 =	sand.u32 $0x1FFFFFF0, s14;
	s12 =	spop (v2sf)  }
0xf6: {  	[tilespmem:s1], [sflag:$0x3] =	stream.linear.gather [hbm4b:s5+s20], $0x80, $0x38;
	[tilespmem:$0xC180] =	vst v63  }
0xf7: {  	s1 =	sadd.s32 s3, s6;
	s5 =	sand.u32 $0x1FFFFFF0, s12;
	s6 =	spop (v2sf)  }
0xf8: {  	[tilespmem:s8], [sflag:$0x3] =	stream.linear.gather [hbm4b:s1+s20], $0x80, $0x38;
	[tilespmem:$0xC180] =	vst v63  }
0xf9: {  	s1 =	sadd.s32 s3, s7;
	s6 =	sand.u32 $0x1FFFFFF0, s6;
	s7 =	spop (v2sf)  }
0xfa: {  	[tilespmem:s31], [sflag:$0x3] =	stream.linear.gather [hbm4b:s1+s20], $0x80, $0x38;
	[tilespmem:$0xC180] =	vst v63  }
0xfb: {  	s1 =	sadd.s32 s3, s5;
	s5 =	sand.u32 $0x1FFFFFF0, s7;
	s7 =	spop (v2sf)  }
0xfc: {  	[tilespmem:s29], [sflag:$0x3] =	stream.linear.gather [hbm4b:s1+s20], $0x80, $0x38;
	[tilespmem:$0xC180] =	vst v63  }
0xfd: {  	s1 =	sadd.s32 s3, s6;
	s6 =	sand.u32 $0x1FFFFFF0, s7;
	s7 =	spop (v2sf)  }
0xfe: {  	[tilespmem:s0], [sflag:$0x3] =	stream.linear.gather [hbm4b:s1+s20], $0x80, $0x38;
	[tilespmem:$0xC180] =	vst v63  }
0xff: {  	s0 =	sadd.s32 s3, s5;
	s1 =	sand.u32 $0x1FFFFFF0, s7;
	s5 =	spop (v2sf)  }
0x100: {  	[tilespmem:s30], [sflag:$0x3] =	stream.linear.gather [hbm4b:s0+s20], $0x80, $0x38;
	[tilespmem:$0xC180] =	vst v63  }
0x101: {  	s0 =	sadd.s32 s3, s6;
	s5 =	sand.u32 $0x1FFFFFF0, s5;
	s6 =	spop (v2sf)  }
0x102: {  	[tilespmem:s28], [sflag:$0x3] =	stream.linear.gather [hbm4b:s0+s20], $0x80, $0x38;
	[tilespmem:$0xC180] =	vst v63  }
0x103: {  	s0 =	sadd.s32 s3, s1;
	s1 =	sand.u32 $0x1FFFFFF0, s6;
	s6 =	spop (v2sf)  }
0x104: {  	[tilespmem:s25], [sflag:$0x3] =	stream.linear.gather [hbm4b:s0+s20], $0x80, $0x38;
	[tilespmem:$0xC180] =	vst v63  }
0x105: {  	s0 =	sadd.s32 s3, s5;
	s5 =	sand.u32 $0x1FFFFFF0, s6  }
0x106: {  	[tilespmem:s26], [sflag:$0x3] =	stream.linear.gather [hbm4b:s0+s20], $0x80, $0x38;
	[tilespmem:$0xC180] =	vst v63  }
0x107: {  	s1 =	sadd.s32 s3, s1;
	s0 =	sadd.s32 $0x6880, s21  }
0x108: {  	[tilespmem:s0], [sflag:$0x3] =	stream.linear.gather [hbm4b:s1+s20], $0x80, $0x38;
	[tilespmem:$0xC180] =	vst v63  }
0x109: {  	s0 =	sadd.s32 $0x6900, s21;
	s1 =	sadd.s32 s3, s5  }
0x10a: {  	[tilespmem:s0], [sflag:$0x3] =	stream.linear.gather [hbm4b:s1+s20], $0x80, $0x38;
	[tilespmem:$0xC180] =	vst v63  }
0x10b: {  	v0 =	vld [tilespmem:s22+$0x0];
	_ =	sdelay $0x4  }
0x10c: {  	v0 =	vshll.u32 v0, $0x4  }
0x10d: {  	(v2sf) =	vpush v0, $0x0  }
0x10e: {  	(v2sf) =	vpush v0, $0x1  }
0x10f: {  	(v2sf) =	vpush v0, $0x2;
	_ =	sdelay $0x1  }
0x110: {  	(v2sf) =	vpush v0, $0x4  }
.Ltmp2:
0x111: {  	(pc) =	sbr.rel @p0 .LBB2_6-.Ltmp2, $3  }
0x112: {  	(v2sf) =	vpush v0, $0x3  }
0x113: {  	(v2sf) =	vpush v0, $0x5;
	_ =	sdelay $0x1  }
0x114: {  	s21 =	sshra.s32 s24, $0x2;
	(v2sf) =	vpush v0, $0x6  }
0x115: {  	_ =	sdelay $0x1  }
0x116: {  	s0 =	sadd.s32 $0x6200, s21;
	s24 =	sadd.s32 $0x6700, s21  }
0x117: {  	s1 =	sadd.s32 $0x6500, s21;
	s22 =	sadd.s32 $0x6780, s21;
	(v2sf) =	vpush v0, $0x7;
	s5 =	sadd.s32 $0x6400, s21  }
0x118: {  	s6 =	sadd.s32 $0x6580, s21;
	s23 =	sadd.s32 $0x6800, s21;
	s7 =	sadd.s32 $0x6180, s21  }
0x119: {  	s8 =	sadd.s32 $0x6380, s21;
	s12 =	sadd.s32 $0x6480, s21;
	(v2sf) =	vpush v0, $0x8;
	s14 =	spop (v2sf)  }
0x11a: {  	s16 =	sadd.s32 $0x6280, s21;
	s14 =	sand.u32 $0x1FFFFFF0, s14;
	s18 =	spop (v2sf)  }
0x11b: {  	(v2sf) =	vpush v0, $0x9;
	s14 =	sadd.s32 s3, s14;
	s18 =	sand.u32 $0x1FFFFFF0, s18;
	s25 =	spop (v2sf)  }
0x11c: {  	[tilespmem:s7], [sflag:$0x3] =	stream.linear.gather [hbm4b:s14+s20], $0x80, $0x38;
	[tilespmem:$0xC180] =	vst v63  }
0x11d: {  	(v2sf) =	vpush v0, $0xA;
	s26 =	sadd.s32 s3, s18;
	s29 =	sand.u32 $0x1FFFFFF0, s25;
	s28 =	spop (v2sf)  }
0x11e: {  	[tilespmem:s0], [sflag:$0x3] =	stream.linear.gather [hbm4b:s26+s20], $0x80, $0x38;
	[tilespmem:$0xC180] =	vst v63  }
0x11f: {  	s7 =	sadd.s32 $0x6680, s21;
	(v2sf) =	vpush v0, $0xB;
	s14 =	sadd.s32 s3, s29;
	s30 =	spop (v2sf)  }
0x120: {  	s0 =	sadd.s32 $0x6600, s21;
	s26 =	sadd.s32 $0x6300, s21;
	s25 =	sand.u32 $0x1FFFFFF0, s30  }
0x121: {  	(v2sf) =	vpush v0, $0xC;
	[tilespmem:s16], [sflag:$0x3] =	stream.linear.gather [hbm4b:s14+s20], $0x80, $0x38;
	[tilespmem:$0xC180] =	vst v63  }
0x122: {  	s31 =	sand.u32 $0x1FFFFFF0, s28;
	s28 =	spop (v2sf);
	s29 =	sadd.s32 s3, s25  }
0x123: {  	(v2sf) =	vpush v0, $0xD;
	[tilespmem:s26], [sflag:$0x3] =	stream.linear.gather [hbm4b:s29+s20], $0x80, $0x38;
	[tilespmem:$0xC180] =	vst v63  }
0x124: {  	s14 =	sadd.s32 s3, s31;
	s16 =	sand.u32 $0x1FFFFFF0, s28;
	s30 =	spop (v2sf)  }
0x125: {  	(v2sf) =	vpush v0, $0xE;
	[tilespmem:s8], [sflag:$0x3] =	stream.linear.gather [hbm4b:s14+s20], $0x80, $0x38;
	[tilespmem:$0xC180] =	vst v63  }
0x126: {  	s16 =	sadd.s32 s3, s16;
	s31 =	sand.u32 $0x1FFFFFF0, s30;
	s18 =	spop (v2sf)  }
0x127: {  	(v2sf) =	vpush v0, $0xF;
	[tilespmem:s5], [sflag:$0x3] =	stream.linear.gather [hbm4b:s16+s20], $0x80, $0x38;
	[tilespmem:$0xC180] =	vst v63  }
0x128: {  	s25 =	sand.u32 $0x1FFFFFF0, s18;
	s26 =	spop (v2sf);
	s8 =	sadd.s32 s3, s31  }
0x129: {  	[tilespmem:s12], [sflag:$0x3] =	stream.linear.gather [hbm4b:s8+s20], $0x80, $0x38;
	[tilespmem:$0xC180] =	vst v63  }
0x12a: {  	s28 =	sand.u32 $0x1FFFFFF0, s26;
	s5 =	sadd.s32 s3, s25;
	s29 =	spop (v2sf)  }
0x12b: {  	[tilespmem:s1], [sflag:$0x3] =	stream.linear.gather [hbm4b:s5+s20], $0x80, $0x38;
	[tilespmem:$0xC180] =	vst v63  }
0x12c: {  	s8 =	sadd.s32 s3, s28;
	s30 =	sand.u32 $0x1FFFFFF0, s29;
	s31 =	spop (v2sf)  }
0x12d: {  	[tilespmem:s6], [sflag:$0x3] =	stream.linear.gather [hbm4b:s8+s20], $0x80, $0x38;
	[tilespmem:$0xC180] =	vst v63  }
0x12e: {  	s5 =	sand.u32 $0x1FFFFFF0, s31;
	s1 =	sadd.s32 s3, s30;
	s12 =	spop (v2sf)  }
0x12f: {  	[tilespmem:s0], [sflag:$0x3] =	stream.linear.gather [hbm4b:s1+s20], $0x80, $0x38;
	[tilespmem:$0xC180] =	vst v63  }
0x130: {  	s5 =	sadd.s32 s3, s5;
	s14 =	sand.u32 $0x1FFFFFF0, s12;
	s16 =	spop (v2sf)  }
0x131: {  	[tilespmem:s7], [sflag:$0x3] =	stream.linear.gather [hbm4b:s5+s20], $0x80, $0x38;
	[tilespmem:$0xC180] =	vst v63  }
0x132: {  	s0 =	sadd.s32 s3, s14;
	s1 =	sand.u32 $0x1FFFFFF0, s16;
	s18 =	spop (v2sf)  }
0x133: {  	[tilespmem:s24], [sflag:$0x3] =	stream.linear.gather [hbm4b:s0+s20], $0x80, $0x38;
	[tilespmem:$0xC180] =	vst v63  }
0x134: {  	s1 =	sadd.s32 s3, s1;
	s25 =	spop (v2sf);
	s24 =	sand.u32 $0x1FFFFFF0, s18  }
0x135: {  	[tilespmem:s22], [sflag:$0x3] =	stream.linear.gather [hbm4b:s1+s20], $0x80, $0x38;
	[tilespmem:$0xC180] =	vst v63  }
0x136: {  	s26 =	sand.u32 $0x1FFFFFF0, s25;
	s28 =	spop (v2sf);
	s0 =	sadd.s32 s3, s24  }
0x137: {  	[tilespmem:s23], [sflag:$0x3] =	stream.linear.gather [hbm4b:s0+s20], $0x80, $0x38;
	[tilespmem:$0xC180] =	vst v63  }
0x138: {  	s30 =	sadd.s32 $0x6880, s21;
	s29 =	sand.u32 $0x1FFFFFF0, s28;
	s1 =	sadd.s32 s3, s26  }
0x139: {  	[tilespmem:s30], [sflag:$0x3] =	stream.linear.gather [hbm4b:s1+s20], $0x80, $0x38;
	[tilespmem:$0xC180] =	vst v63  }
0x13a: {  	s31 =	sadd.s32 $0x6900, s21;
	s21 =	simm.s32 $0x120;
	s0 =	sadd.s32 s3, s29  }
0x13b: {  	[tilespmem:s31], [sflag:$0x3] =	stream.linear.gather [hbm4b:s0+s20], $0x80, $0x38;
	[tilespmem:$0xC180] =	vst v63  }
0x13c: {  	v0 =	vld [tilespmem:s21+$0x0];
	_ =	sdelay $0x4  }
0x13d: {  	v0 =	vshll.u32 v0, $0x4  }
0x13e: {  	(v2sf) =	vpush v0, $0x0  }
0x13f: {  	(v2sf) =	vpush v0, $0x1  }
0x140: {  	(v2sf) =	vpush v0, $0x2;
	_ =	sdelay $0x1  }
0x141: {  	(v2sf) =	vpush v0, $0x4;
	_ =	sdelay $0x1  }
0x142: {  	(v2sf) =	vpush v0, $0x3  }
0x143: {  	(v2sf) =	vpush v0, $0x5  }
0x144: {  	s22 =	simm.s32 $0x2000;
	s20 =	simm.s32 $0x0;
	(v2sf) =	vpush v0, $0x6  }
.LBB2_8:
0x145: {  	p0 =	sne.s32 s22, $0xA000  }
0x146: {  	s5 =	sadd.s32 $0x9200, s20;
	s26 =	sadd.s32 $0x9700, s20;
	s23 =	smov.u32 s22  }
0x147: {  	s22 =	sadd.s32 $0x2000, s22;
	s30 =	sadd.s32 $0x9500, s20;
	s24 =	sadd.s32 $0x9780, s20;
	(v2sf) =	vpush v0, $0x7  }
0x148: {  	s1 =	sadd.s32 $0x9400, s20;
	s29 =	sadd.s32 $0x9580, s20;
	s25 =	sadd.s32 $0x9800, s20  }
0x149: {  	s6 =	sadd.s32 $0x9180, s20;
	s7 =	sadd.s32 $0x9380, s20;
	(v2sf) =	vpush v0, $0x8  }
0x14a: {  	s8 =	sadd.s32 $0x9480, s20;
	s21 =	sadd.s32 $0x10, s21  }
0x14b: {  	s12 =	sadd.s32 $0x9280, s20;
	s28 =	sadd.s32 $0x9680, s20;
	s0 =	spop (v2sf);
	(v2sf) =	vpush v0, $0x9  }
0x14c: {  	s14 =	sand.u32 $0x1FFFFFF0, s0;
	s0 =	sadd.s32 $0x9600, s20;
	s16 =	spop (v2sf)  }
0x14d: {  	s14 =	sadd.s32 s3, s14;
	s16 =	sand.u32 $0x1FFFFFF0, s16;
	s18 =	spop (v2sf);
	(v2sf) =	vpush v0, $0xA  }
0x14e: {  	[tilespmem:s6], [sflag:$0x4] =	stream.linear.gather [hbm4b:s14+s2], $0x80, $0x38;
	[tilespmem:$0xC180] =	vst v63  }
0x14f: {  	s6 =	sadd.s32 s3, s16;
	s14 =	sadd.s32 $0x9300, s20;
	s16 =	spop (v2sf);
	(v2sf) =	vpush v0, $0xB  }
0x150: {  	[tilespmem:s5], [sflag:$0x4] =	stream.linear.gather [hbm4b:s6+s2], $0x80, $0x38;
	[tilespmem:$0xC180] =	vst v63  }
0x151: {  	s5 =	sand.u32 $0x1FFFFFF0, s18;
	s6 =	sand.u32 $0x1FFFFFF0, s16;
	s16 =	spop (v2sf);
	(v2sf) =	vpush v0, $0xC  }
0x152: {  	s5 =	sadd.s32 s3, s5;
	s16 =	sand.u32 $0x1FFFFFF0, s16;
	s18 =	spop (v2sf)  }
0x153: {  	[tilespmem:s12], [sflag:$0x4] =	stream.linear.gather [hbm4b:s5+s2], $0x80, $0x38;
	(v2sf) =	vpush v0, $0xD;
	[tilespmem:$0xC180] =	vst v63  }
0x154: {  	s5 =	sadd.s32 s3, s16;
	s12 =	sand.u32 $0x1FFFFFF0, s18;
	s16 =	spop (v2sf)  }
0x155: {  	[tilespmem:s14], [sflag:$0x4] =	stream.linear.gather [hbm4b:s5+s2], $0x80, $0x38;
	(v2sf) =	vpush v0, $0xE;
	[tilespmem:$0xC180] =	vst v63  }
0x156: {  	s5 =	sadd.s32 s3, s6;
	s6 =	sand.u32 $0x1FFFFFF0, s16;
	s14 =	spop (v2sf)  }
0x157: {  	[tilespmem:s7], [sflag:$0x4] =	stream.linear.gather [hbm4b:s5+s2], $0x80, $0x38;
	(v2sf) =	vpush v0, $0xF;
	[tilespmem:$0xC180] =	vst v63  }
0x158: {  	s5 =	sadd.s32 s3, s12;
	s7 =	sand.u32 $0x1FFFFFF0, s14;
	s12 =	spop (v2sf)  }
0x159: {  	[tilespmem:s1], [sflag:$0x4] =	stream.linear.gather [hbm4b:s5+s2], $0x80, $0x38;
	[tilespmem:$0xC180] =	vst v63  }
0x15a: {  	s1 =	sadd.s32 s3, s6;
	s5 =	sand.u32 $0x1FFFFFF0, s12;
	s6 =	spop (v2sf)  }
0x15b: {  	[tilespmem:s8], [sflag:$0x4] =	stream.linear.gather [hbm4b:s1+s2], $0x80, $0x38;
	[tilespmem:$0xC180] =	vst v63  }
0x15c: {  	s1 =	sadd.s32 s3, s7;
	s6 =	sand.u32 $0x1FFFFFF0, s6;
	s7 =	spop (v2sf)  }
0x15d: {  	[tilespmem:s30], [sflag:$0x4] =	stream.linear.gather [hbm4b:s1+s2], $0x80, $0x38;
	[tilespmem:$0xC180] =	vst v63  }
0x15e: {  	s1 =	sadd.s32 s3, s5;
	s5 =	sand.u32 $0x1FFFFFF0, s7;
	s7 =	spop (v2sf)  }
0x15f: {  	[tilespmem:s29], [sflag:$0x4] =	stream.linear.gather [hbm4b:s1+s2], $0x80, $0x38;
	[tilespmem:$0xC180] =	vst v63  }
0x160: {  	s1 =	sadd.s32 s3, s6;
	s6 =	sand.u32 $0x1FFFFFF0, s7;
	s7 =	spop (v2sf)  }
0x161: {  	[tilespmem:s0], [sflag:$0x4] =	stream.linear.gather [hbm4b:s1+s2], $0x80, $0x38;
	[tilespmem:$0xC180] =	vst v63  }
0x162: {  	s0 =	sadd.s32 s3, s5;
	s1 =	sand.u32 $0x1FFFFFF0, s7;
	s5 =	spop (v2sf)  }
0x163: {  	[tilespmem:s28], [sflag:$0x4] =	stream.linear.gather [hbm4b:s0+s2], $0x80, $0x38;
	[tilespmem:$0xC180] =	vst v63  }
0x164: {  	s0 =	sadd.s32 s3, s6;
	s5 =	sand.u32 $0x1FFFFFF0, s5;
	s6 =	spop (v2sf)  }
0x165: {  	[tilespmem:s26], [sflag:$0x4] =	stream.linear.gather [hbm4b:s0+s2], $0x80, $0x38;
	[tilespmem:$0xC180] =	vst v63  }
0x166: {  	s0 =	sadd.s32 s3, s1;
	s1 =	sand.u32 $0x1FFFFFF0, s6;
	s6 =	spop (v2sf)  }
0x167: {  	[tilespmem:s24], [sflag:$0x4] =	stream.linear.gather [hbm4b:s0+s2], $0x80, $0x38;
	[tilespmem:$0xC180] =	vst v63  }
0x168: {  	s0 =	sadd.s32 s3, s5;
	s5 =	sand.u32 $0x1FFFFFF0, s6  }
0x169: {  	[tilespmem:s25], [sflag:$0x4] =	stream.linear.gather [hbm4b:s0+s2], $0x80, $0x38;
	[tilespmem:$0xC180] =	vst v63  }
0x16a: {  	s1 =	sadd.s32 s3, s1;
	s0 =	sadd.s32 $0x9880, s20  }
0x16b: {  	[tilespmem:s0], [sflag:$0x4] =	stream.linear.gather [hbm4b:s1+s2], $0x80, $0x38;
	[tilespmem:$0xC180] =	vst v63  }
0x16c: {  	s0 =	sadd.s32 $0x9900, s20;
	s1 =	sadd.s32 s3, s5  }
0x16d: {  	[tilespmem:s0], [sflag:$0x4] =	stream.linear.gather [hbm4b:s1+s2], $0x80, $0x38;
	[tilespmem:$0xC180] =	vst v63  }
0x16e: {  	v0 =	vld [tilespmem:s21+$0x0];
	_ =	sdelay $0x4  }
0x16f: {  	v0 =	vshll.u32 v0, $0x4  }
0x170: {  	(v2sf) =	vpush v0, $0x0  }
0x171: {  	(v2sf) =	vpush v0, $0x1  }
0x172: {  	(v2sf) =	vpush v0, $0x2;
	_ =	sdelay $0x1  }
0x173: {  	(v2sf) =	vpush v0, $0x4  }
.Ltmp3:
0x174: {  	(pc) =	sbr.rel @p0 .LBB2_8-.Ltmp3, $3  }
0x175: {  	(v2sf) =	vpush v0, $0x3  }
0x176: {  	(v2sf) =	vpush v0, $0x5;
	_ =	sdelay $0x1  }
0x177: {  	s20 =	sshra.s32 s23, $0x2;
	(v2sf) =	vpush v0, $0x6  }
0x178: {  	_ =	sdelay $0x5  }
0x179: {  	s0 =	spop (v2sf)  }
0x17a: {  	s1 =	spop (v2sf)  }
0x17b: {  	s31 =	spop (v2sf)  }
0x17c: {  	s8 =	spop (v2sf);
	(v2sf) =	vpush v0, $0x7  }
0x17d: {  	s0 =	sand.u32 $0x1FFFFFF0, s0  }
0x17e: {  	s5 =	sadd.s32 $0x9180, s20;
	s0 =	sadd.s32 s3, s0  }
0x17f: {  	[tilespmem:s5], [sflag:$0x4] =	stream.linear.gather [hbm4b:s0+s2], $0x80, $0x38;
	[tilespmem:$0xC180] =	vst v63  }
0x180: {  	s1 =	sand.u32 $0x1FFFFFF0, s1;
	s12 =	spop (v2sf);
	(v2sf) =	vpush v0, $0x8  }
0x181: {  	s30 =	sadd.s32 $0x9200, s20;
	s1 =	sadd.s32 s3, s1  }
0x182: {  	[tilespmem:s30], [sflag:$0x4] =	stream.linear.gather [hbm4b:s1+s2], $0x80, $0x38;
	[tilespmem:$0xC180] =	vst v63  }
0x183: {  	s6 =	sand.u32 $0x1FFFFFF0, s31;
	s21 =	spop (v2sf);
	(v2sf) =	vpush v0, $0x9  }
0x184: {  	s7 =	sadd.s32 $0x9280, s20;
	s0 =	sadd.s32 s3, s6  }
0x185: {  	[tilespmem:s7], [sflag:$0x4] =	stream.linear.gather [hbm4b:s0+s2], $0x80, $0x38;
	[tilespmem:$0xC180] =	vst v63  }
0x186: {  	s0 =	sand.u32 $0x1FFFFFF0, s12;
	s23 =	spop (v2sf);
	(v2sf) =	vpush v0, $0xA  }
0x187: {  	s14 =	sadd.s32 $0x9300, s20;
	s16 =	sand.u32 $0x1FFFFFF0, s8;
	s0 =	sadd.s32 s3, s0  }
0x188: {  	[tilespmem:s14], [sflag:$0x4] =	stream.linear.gather [hbm4b:s0+s2], $0x80, $0x38;
	[tilespmem:$0xC180] =	vst v63  }
0x189: {  	s18 =	sadd.s32 $0x9380, s20;
	s0 =	sadd.s32 s3, s16  }
0x18a: {  	[tilespmem:s18], [sflag:$0x4] =	stream.linear.gather [hbm4b:s0+s2], $0x80, $0x38;
	[tilespmem:$0xC180] =	vst v63  }
0x18b: {  	s0 =	sand.u32 $0x1FFFFFF0, s21;
	s25 =	spop (v2sf);
	(v2sf) =	vpush v0, $0xB  }
0x18c: {  	s22 =	sadd.s32 $0x9400, s20;
	s0 =	sadd.s32 s3, s0  }
0x18d: {  	[tilespmem:s22], [sflag:$0x4] =	stream.linear.gather [hbm4b:s0+s2], $0x80, $0x38;
	[tilespmem:$0xC180] =	vst v63  }
0x18e: {  	s0 =	sand.u32 $0x1FFFFFF0, s23  }
0x18f: {  	s24 =	sadd.s32 $0x9480, s20;
	s0 =	sadd.s32 s3, s0;
	s28 =	spop (v2sf);
	(v2sf) =	vpush v0, $0xC  }
0x190: {  	[tilespmem:s24], [sflag:$0x4] =	stream.linear.gather [hbm4b:s0+s2], $0x80, $0x38;
	[tilespmem:$0xC180] =	vst v63  }
0x191: {  	s0 =	sand.u32 $0x1FFFFFF0, s25  }
0x192: {  	s26 =	sadd.s32 $0x9500, s20;
	s0 =	sadd.s32 s3, s0;
	s30 =	spop (v2sf);
	(v2sf) =	vpush v0, $0xD  }
0x193: {  	[tilespmem:s26], [sflag:$0x4] =	stream.linear.gather [hbm4b:s0+s2], $0x80, $0x38;
	[tilespmem:$0xC180] =	vst v63  }
0x194: {  	s0 =	sand.u32 $0x1FFFFFF0, s28  }
0x195: {  	s29 =	sadd.s32 $0x9580, s20;
	s0 =	sadd.s32 s3, s0;
	s1 =	spop (v2sf);
	(v2sf) =	vpush v0, $0xE  }
0x196: {  	[tilespmem:s29], [sflag:$0x4] =	stream.linear.gather [hbm4b:s0+s2], $0x80, $0x38;
	[tilespmem:$0xC180] =	vst v63  }
0x197: {  	s0 =	sand.u32 $0x1FFFFFF0, s30  }
0x198: {  	s31 =	sadd.s32 $0x9600, s20;
	s0 =	sadd.s32 s3, s0  }
0x199: {  	[tilespmem:s31], [sflag:$0x4] =	stream.linear.gather [hbm4b:s0+s2], $0x80, $0x38;
	[tilespmem:$0xC180] =	vst v63  }
0x19a: {  	s0 =	sand.u32 $0x1FFFFFF0, s1;
	s6 =	spop (v2sf);
	(v2sf) =	vpush v0, $0xF  }
0x19b: {  	s5 =	sadd.s32 $0x9680, s20;
	s0 =	sadd.s32 s3, s0  }
0x19c: {  	[tilespmem:s5], [sflag:$0x4] =	stream.linear.gather [hbm4b:s0+s2], $0x80, $0x38;
	[tilespmem:$0xC180] =	vst v63  }
0x19d: {  	s0 =	sand.u32 $0x1FFFFFF0, s6  }
0x19e: {  	s7 =	sadd.s32 $0x9700, s20;
	s0 =	sadd.s32 s3, s0;
	s8 =	spop (v2sf)  }
0x19f: {  	[tilespmem:s7], [sflag:$0x4] =	stream.linear.gather [hbm4b:s0+s2], $0x80, $0x38;
	[tilespmem:$0xC180] =	vst v63  }
0x1a0: {  	s0 =	sand.u32 $0x1FFFFFF0, s8  }
0x1a1: {  	s12 =	sadd.s32 $0x9780, s20;
	s14 =	spop (v2sf);
	s0 =	sadd.s32 s3, s0  }
0x1a2: {  	[tilespmem:s12], [sflag:$0x4] =	stream.linear.gather [hbm4b:s0+s2], $0x80, $0x38;
	[tilespmem:$0xC180] =	vst v63  }
0x1a3: {  	s0 =	sand.u32 $0x1FFFFFF0, s14  }
0x1a4: {  	s16 =	sadd.s32 $0x9800, s20;
	s18 =	spop (v2sf);
	s0 =	sadd.s32 s3, s0  }
0x1a5: {  	[tilespmem:s16], [sflag:$0x4] =	stream.linear.gather [hbm4b:s0+s2], $0x80, $0x38;
	[tilespmem:$0xC180] =	vst v63  }
0x1a6: {  	s0 =	sand.u32 $0x1FFFFFF0, s18  }
0x1a7: {  	s21 =	sadd.s32 $0x9880, s20;
	s0 =	sadd.s32 s3, s0  }
0x1a8: {  	[tilespmem:s21], [sflag:$0x4] =	stream.linear.gather [hbm4b:s0+s2], $0x80, $0x38;
	[tilespmem:$0xC180] =	vst v63  }
0x1a9: {  	s22 =	spop (v2sf)  }
0x1aa: {  	s0 =	sand.u32 $0x1FFFFFF0, s22  }
0x1ab: {  	s23 =	sadd.s32 $0x9900, s20;
	s0 =	sadd.s32 s3, s0  }
0x1ac: {  	[tilespmem:s23], [sflag:$0x4] =	stream.linear.gather [hbm4b:s0+s2], $0x80, $0x38;
	[tilespmem:$0xC180] =	vst v63  }
0x1ad: {  	_ =	swait.ge [sflag:s11], $0x3000  }
0x1ae: {  	[sflag:s11] =	ssyncset.done $0x0  }
0x1af: {  	s24 =	simm.s32 $0x180;
	[sflag:s11] =	ssyncadd.s32 $0xFFFFD000  }
0x1b0: {  	[hbm4b:s4+s2] =	stream.linear.scatter [tilespmem:s24], [sflag:$0x5], $0x3000, $0x38;
	[tilespmem:$0xC180] =	vst v63  }
0x1b1: {  	_ =	swait.ge [sflag:s10], $0x3000  }
0x1b2: {  	[sflag:s10] =	ssyncset.done $0x0  }
0x1b3: {  	[sflag:s10] =	ssyncadd.s32 $0xFFFFD000  }
0x1b4: {  	_ =	swait.ge [sflag:s13], $0x3000  }
0x1b5: {  	[sflag:s13] =	ssyncset.done $0x0  }
0x1b6: {  	s26 =	simm.s32 $0x3180;
	s25 =	rddreg [dreg:$0x4];
	[sflag:s13] =	ssyncadd.s32 $0xFFFFD000  }
0x1b7: {  	[hbm4b:s25+s2] =	stream.linear.scatter [tilespmem:s26], [sflag:$0x5], $0x3000, $0x38;
	[tilespmem:$0xC180] =	vst v63  }
0x1b8: {  	_ =	swait.ge [sflag:s10], $0x3000  }
0x1b9: {  	[sflag:s10] =	ssyncset.done $0x0  }
0x1ba: {  	[sflag:s10] =	ssyncadd.s32 $0xFFFFD000  }
0x1bb: {  	_ =	swait.ge [sflag:s15], $0x3000  }
0x1bc: {  	[sflag:s15] =	ssyncset.done $0x0  }
0x1bd: {  	s29 =	simm.s32 $0x6180;
	s28 =	rddreg [dreg:$0x5];
	[sflag:s15] =	ssyncadd.s32 $0xFFFFD000  }
0x1be: {  	[hbm4b:s28+s2] =	stream.linear.scatter [tilespmem:s29], [sflag:$0x5], $0x3000, $0x38;
	[tilespmem:$0xC180] =	vst v63  }
0x1bf: {  	_ =	swait.ge [sflag:s10], $0x3000  }
0x1c0: {  	[sflag:s10] =	ssyncset.done $0x0  }
0x1c1: {  	[sflag:s10] =	ssyncadd.s32 $0xFFFFD000  }
0x1c2: {  	s19 =	sadd.s32 $0x1, s19;
	_ =	swait.ge [sflag:s17], $0x3000  }
0x1c3: {  	p0 =	sne.s32 s19, s9;
	s31 =	simm.s32 $0x9180;
	[sflag:s17] =	ssyncset.done $0x0  }
.Ltmp4:
0x1c4: {  	s30 =	rddreg [dreg:$0x6];
	[sflag:s17] =	ssyncadd.s32 $0xFFFFD000;
	(pc) =	sbr.rel @p0 .LBB2_1-.Ltmp4, $4  }
0x1c5: {  	[hbm4b:s30+s2] =	stream.linear.scatter [tilespmem:s31], [sflag:$0x5], $0x3000, $0x38;
	[tilespmem:$0xC180] =	vst v63  }
0x1c6: {  	_ =	swait.ge [sflag:s10], $0x3000  }
0x1c7: {  	[sflag:s10] =	ssyncset.done $0x0  }
0x1c8: {  	[sflag:s10] =	ssyncadd.s32 $0xFFFFD000  }
0x1c9: {  	_ =	sfence.sel $0x180000  }
0x1ca: {  	[bflag:$0x0] =	sbarrier.arrive $0xFFFF  }
0x1cb: {  	_ =	strace $0x90000047  }
0x1cc: {  	s0 =	stileid.u32;
	[bflag:$0x2] =	sbarrier.arrive $0xFFFF  }
0x1cd: {  	p0 =	sne.s32 s0, $0x0;
	s0 =	rddreg [dreg:$0x2]  }
0x1ce: {  	s0 =	sadd.s32 @!p0 $0x100000, s0  }
0x1cf: {  	[sflag:s0] =	ssyncadd.tile.s32 @!p0 $0x1;
	_ =	shalt  }
.Lfunc_end2:
_tile_overlayer_lowered:
.L_overlay_start_2:
0x1d0: {  	(tag) =	ssettag $0x2  }
0x1d1: {  	s0 =	rddreg [dreg:$0x0];
	s2 =	stileid.u32  }
0x1d2: {  	s1 =	rddreg [dreg:$0x1];
	p0 =	sne.s32 s2, $0x0  }
0x1d3: {  	s3 =	rddreg [dreg:$0x2];
	[bflag:$0x3] =	sbarrier.arrive $0xFFFF;
	s2 =	simm.s32 @!p0 $0x1C05  }
0x1d4: {  	[timem:s3], [sflag:s2] =	dma.local @!p0 [hbm:s0], s1  }
0x1d5: {  	s0 =	simm.s32 @!p0 $0x5  }
0x1d6: {  	_ =	swait.ge @!p0 [sflag:s0], s1  }
0x1d7: {  	s1 =	ssub.s32 @!p0 $0x0, s1;
	[sflag:s0] =	ssyncset.done @!p0 $0x0  }
0x1d8: {  	[sflag:s0] =	ssyncadd.s32 @!p0 s1  }
0x1d9: {  	[bflag:$0x3] =	sbarrier.arrive $0xFFFF  }
0x1da: {  	_ =	shalt  }

</sc_bundles>
